<compile_context>
chip_gen: v7x
topology: tpu7x:2x2x1
jax: 0.10.2.dev20260603
libtpu: 0.0.44.dev20260713+nightly
codegen_flags: <defaults>
</compile_context>

<pallas_src>
import jax
import jax.numpy as jnp
from jax import lax
from jax.experimental import pallas as pl
from jax.experimental.pallas import tpu as pltpu
from jax.experimental.pallas import tpu_sc as plsc

NC = 2
NS = 16
NW = NC * NS
CH = 128


def _sc_mesh():
    return plsc.VectorSubcoreMesh(
        core_axis_name="c", subcore_axis_name="s", num_cores=NC, num_subcores=NS
    )


def _deg_kernel(n_pad, nch):
    sr = n_pad // NS

    def body(col_hbm, ones_hbm, zeros_hbm, out_hbm, cidx_v, ones_v, deg_sh, sem):
        c = lax.axis_index("c")
        s = lax.axis_index("s")
        wid = s * NC + c
        pltpu.sync_copy(zeros_hbm, deg_sh.at[pl.ds(s * sr, sr)])
        pltpu.sync_copy(ones_hbm, ones_v)
        pltpu.sync_copy(col_hbm.at[pl.ds(wid * nch, nch)], cidx_v)
        plsc.subcore_barrier()

        def chunk(j, carry):
            pltpu.sync_copy(ones_v, deg_sh.at[cidx_v.at[j]], add=True)
            return carry

        lax.fori_loop(0, nch, chunk, 0)
        plsc.subcore_barrier()
        pltpu.sync_copy(deg_sh.at[pl.ds(s * sr, sr)],
                        out_hbm.at[c, pl.ds(s * sr, sr)])

    return pl.kernel(
        body,
        out_type=jax.ShapeDtypeStruct((NC, n_pad), jnp.float32),
        mesh=_sc_mesh(),
        scratch_types=[
            pltpu.VMEM((nch, CH), jnp.int32),
            pltpu.VMEM((CH,), jnp.float32),
            pltpu.VMEM_SHARED((n_pad,), jnp.float32),
            pltpu.SemaphoreType.DMA,
        ],
    )


def _agg_kernel(n_pad, nch):
    sr = n_pad // NS

    def body(hs_hbm, row_hbm, col_hbm, zeros_hbm, out_hbm,
             ridx_v, cidx_v, rows_v, agg_sh, sem):
        c = lax.axis_index("c")
        s = lax.axis_index("s")
        wid = s * NC + c
        pltpu.sync_copy(zeros_hbm, agg_sh.at[pl.ds(s * sr, sr)])
        pltpu.sync_copy(row_hbm.at[pl.ds(wid * nch, nch)], ridx_v)
        pltpu.sync_copy(col_hbm.at[pl.ds(wid * nch, nch)], cidx_v)
        plsc.subcore_barrier()

        def chunk(j, carry):
            pltpu.async_copy(hs_hbm.at[ridx_v.at[j]], rows_v, sem).wait()
            pltpu.sync_copy(rows_v, agg_sh.at[cidx_v.at[j]], add=True)
            return carry

        lax.fori_loop(0, nch, chunk, 0)
        plsc.subcore_barrier()
        pltpu.sync_copy(agg_sh.at[pl.ds(s * sr, sr)],
                        out_hbm.at[c, pl.ds(s * sr, sr), :])

    return pl.kernel(
        body,
        out_type=jax.ShapeDtypeStruct((NC, n_pad, 128), jnp.float32),
        mesh=_sc_mesh(),
        scratch_types=[
            pltpu.VMEM((nch, CH), jnp.int32),
            pltpu.VMEM((nch, CH), jnp.int32),
            pltpu.VMEM((CH, 128), jnp.float32),
            pltpu.VMEM_SHARED((n_pad, 128), jnp.float32),
            pltpu.SemaphoreType.DMA,
        ],
    )



def _prep_body(parts_ref, x_ref, wt_ref, hs_ref, dis_ref):
    deg = parts_ref[0, :] + parts_ref[1, :] + 1.0
    dis = lax.rsqrt(deg)
    h = jnp.dot(x_ref[...], wt_ref[...], preferred_element_type=jnp.float32)
    hs_ref[...] = h * dis[:, None]
    dis_ref[...] = dis


def _mid_body(parts_ref, hs_ref, dis_ref, wt_ref, out_ref):
    dis = dis_ref[...]
    agg = parts_ref[0] + parts_ref[1] + hs_ref[...]
    a = jnp.maximum(agg * dis[:, None], 0.0)
    h = jnp.dot(a, wt_ref[...], preferred_element_type=jnp.float32)
    out_ref[...] = h * dis[:, None]


def _final_body(parts_ref, hs_ref, dis_ref, wt_ref, b_ref, out_ref):
    dis = dis_ref[...]
    agg = parts_ref[0] + parts_ref[1] + hs_ref[...]
    a = agg * dis[:, None]
    out_ref[...] = (
        jnp.dot(a, wt_ref[...], preferred_element_type=jnp.float32)
        + b_ref[...]
    )


def kernel(x, edge_index, W1, W2, Wh, bh):
    n, d = x.shape
    e = edge_index.shape[1]
    blk = 512
    n_pad = ((n + blk - 1) // blk) * blk
    if n_pad == n:
        n_pad += blk
    nch = -(-e // (NW * CH))
    nch = ((nch + 7) // 8) * 8
    e_pad = NW * CH * nch
    sr = n_pad // NS

    row = jnp.concatenate(
        [edge_index[0], jnp.full((e_pad - e,), n, jnp.int32)]
    ).reshape(NW * nch, CH)
    col = jnp.concatenate(
        [edge_index[1], jnp.full((e_pad - e,), n, jnp.int32)]
    ).reshape(NW * nch, CH)

    ones_hbm = jnp.ones((CH,), jnp.float32)
    zeros1 = jnp.zeros((sr,), jnp.float32)
    zeros2 = jnp.zeros((sr, 128), jnp.float32)

    deg_parts = _deg_kernel(n_pad, nch)(col, ones_hbm, zeros1)
    agg = _agg_kernel(n_pad, nch)

    xpad = jnp.pad(x, ((0, n_pad - n), (0, 0)))

    grid = (n_pad // blk,)
    hs1, dis = pl.pallas_call(
        _prep_body,
        grid=grid,
        in_specs=[
            pl.BlockSpec((NC, blk), lambda i: (0, i)),
            pl.BlockSpec((blk, d), lambda i: (i, 0)),
            pl.BlockSpec((d, d), lambda i: (0, 0)),
        ],
        out_specs=[
            pl.BlockSpec((blk, d), lambda i: (i, 0)),
            pl.BlockSpec((blk,), lambda i: (i,)),
        ],
        out_shape=[
            jax.ShapeDtypeStruct((n_pad, d), jnp.float32),
            jax.ShapeDtypeStruct((n_pad,), jnp.float32),
        ],
    )(deg_parts, xpad, W1.T)

    parts1 = agg(hs1, row, col, zeros2)

    hs2 = pl.pallas_call(
        _mid_body,
        grid=grid,
        in_specs=[
            pl.BlockSpec((NC, blk, d), lambda i: (0, i, 0)),
            pl.BlockSpec((blk, d), lambda i: (i, 0)),
            pl.BlockSpec((blk,), lambda i: (i,)),
            pl.BlockSpec((d, d), lambda i: (0, 0)),
        ],
        out_specs=pl.BlockSpec((blk, d), lambda i: (i, 0)),
        out_shape=jax.ShapeDtypeStruct((n_pad, d), jnp.float32),
    )(parts1, hs1, dis, W2.T)

    parts2 = agg(hs2, row, col, zeros2)

    out = pl.pallas_call(
        _final_body,
        grid=grid,
        in_specs=[
            pl.BlockSpec((NC, blk, d), lambda i: (0, i, 0)),
            pl.BlockSpec((blk, d), lambda i: (i, 0)),
            pl.BlockSpec((blk,), lambda i: (i,)),
            pl.BlockSpec((d, d), lambda i: (0, 0)),
            pl.BlockSpec((1, d), lambda i: (0, 0)),
        ],
        out_specs=pl.BlockSpec((blk, d), lambda i: (i, 0)),
        out_shape=jax.ShapeDtypeStruct((n_pad, d), jnp.float32),
    )(parts2, hs2, dis, Wh.T, bh[None, :])

    return out[:n]

# --- scband reference (transcript-rebuilt; emitter-appended) ---
"""Pipeline reference for scband-gcn-38714835206720 (READ-ONLY COPY).

The authoritative reference and input builder live on the scoring server;
editing this copy changes nothing except your own understanding.
"""

import jax, jax.numpy as jnp
import numpy as np

N = 10000
E = 320000
D = 128

def setup_inputs(seed: int = 0) -> dict:
    key = jax.random.key(seed)
    k1, k2, k3, k4, k5, k6 = jax.random.split(key, 6)
    x = jax.random.normal(k1, (N, D), dtype=jnp.float32)
    edge_index = jax.random.randint(k2, (2, E), 0, N, dtype=jnp.int32)
    scale = 1.0 / np.sqrt(D)
    W1 = jax.random.normal(k3, (D, D), dtype=jnp.float32) * scale  # fc of layer 1 (out, in)
    W2 = jax.random.normal(k4, (D, D), dtype=jnp.float32) * scale  # fc of layer 2
    Wh = jax.random.normal(k5, (D, D), dtype=jnp.float32) * scale  # head linear weight
    bh = jnp.zeros((D,), dtype=jnp.float32)                        # head linear bias
    return {"x": x, "edge_index": edge_index, "W1": W1, "W2": W2, "Wh": Wh, "bh": bh}


def _gcn_conv(x, W, edge_index, activation):
    n = x.shape[0]
    loop = jnp.arange(n, dtype=edge_index.dtype)
    row = jnp.concatenate([edge_index[0], loop])
    col = jnp.concatenate([edge_index[1], loop])
    # degree of target nodes (with self loops)
    deg = jax.ops.segment_sum(jnp.ones_like(col, dtype=x.dtype), col, num_segments=n)
    deg_inv_sqrt = jnp.power(deg, -0.5)
    deg_inv_sqrt = jnp.where(jnp.isinf(deg_inv_sqrt), 0.0, deg_inv_sqrt)
    norm = deg_inv_sqrt[row] * deg_inv_sqrt[col]
    h = x @ W.T  # Linear(in, out, bias=False)
    msg = norm[:, None] * h[row]          # message: norm * x_j (gather)
    out = jax.ops.segment_sum(msg, col, num_segments=n)  # aggr='add' (scatter-add)
    if activation is not None:
        out = activation(out)
    return out


def reference(x, edge_index, W1, W2, Wh, bh):
    # num_layers=2: layer1 has relu activation, layer2 (encoding=False) has none
    h = _gcn_conv(x, W1, edge_index, jax.nn.relu)
    h = _gcn_conv(h, W2, edge_index, None)
    # extra_output_fc=True -> head Linear(out_dim, out_dim)
    h = h @ Wh.T + bh
    return h

if __name__ == "__main__":
    import jax
    _d = setup_inputs()
    print(jax.jit(kernel)(*tuple(_d.values())))

</pallas_src>

<mosaic_0001>
#map = affine_map<(d0, d1) -> (0, 0)>
#map1 = affine_map<(d0, d1) -> (0)>
module attributes {stable_mosaic.version = 14 : i64} {
  func.func @body(%arg0: i32, %arg1: i32, %arg2: memref<2560x128xi32, #tpu.memory_space<hbm>>, %arg3: memref<128xf32, #tpu.memory_space<hbm>>, %arg4: memref<640xf32, #tpu.memory_space<hbm>>, %arg5: memref<2x10240xf32, #tpu.memory_space<hbm>>, %arg6: memref<80x128xi32, #tpu.memory_space<vmem>>, %arg7: memref<128xf32, #tpu.memory_space<vmem>>, %arg8: memref<10240xf32, #tpu.memory_space<vmem_shared>>, %arg9: memref<!tpu.dma_semaphore, #tpu.memory_space<semaphore_mem>>) attributes {dimension_semantics = [#tpu.dimension_semantics<core_parallel>, #tpu.dimension_semantics<subcore_parallel>], iteration_bounds = array<i64: 2, 16>, scalar_prefetch = 0 : i64, scratch_operands = 4 : i64, tpu.core_type = #tpu.core_type<sc_vector_subcore>, window_params = [{transform_indices = #map}, {transform_indices = #map1}, {transform_indices = #map1}, {transform_indices = #map}]} {
    %mul3A = arith.constant 2 : i32
    %mul3A_0 = arith.muli %arg1, %mul3A : i32
    %add3A = arith.addi %mul3A_0, %arg0 : i32
    %mul3A_1 = arith.constant 640 : i32
    %mul3A_2 = arith.muli %arg1, %mul3A_1 : i32
    "tpu.region"() ({
      %run_scoped3A = tpu.sem_alloc : memref<!tpu.dma_semaphore, #tpu.memory_space<semaphore_mem>>
      %dma_start3A = tpu.memref_slice %arg8[%mul3A_2] : memref<10240xf32, #tpu.memory_space<vmem_shared>> -> memref<640xf32, #tpu.memory_space<vmem_shared>>
      tpu.enqueue_dma source(%arg4 : memref<640xf32, #tpu.memory_space<hbm>>) target(%dma_start3A : memref<640xf32, #tpu.memory_space<vmem_shared>>) target_semaphore(%run_scoped3A : memref<!tpu.dma_semaphore, #tpu.memory_space<semaphore_mem>>)
      %dma_wait3A = tpu.memref_slice %arg8[%mul3A_2] : memref<10240xf32, #tpu.memory_space<vmem_shared>> -> memref<640xf32, #tpu.memory_space<vmem_shared>>
      tpu.wait_dma2 semaphore(%run_scoped3A : memref<!tpu.dma_semaphore, #tpu.memory_space<semaphore_mem>>) src(%arg4 : memref<640xf32, #tpu.memory_space<hbm>>) dst(%dma_wait3A : memref<640xf32, #tpu.memory_space<vmem_shared>>)
      tpu.yield
    }) : () -> ()
    "tpu.region"() ({
      %run_scoped3A = tpu.sem_alloc : memref<!tpu.dma_semaphore, #tpu.memory_space<semaphore_mem>>
      tpu.enqueue_dma source(%arg3 : memref<128xf32, #tpu.memory_space<hbm>>) target(%arg7 : memref<128xf32, #tpu.memory_space<vmem>>) target_semaphore(%run_scoped3A : memref<!tpu.dma_semaphore, #tpu.memory_space<semaphore_mem>>)
      tpu.wait_dma2 semaphore(%run_scoped3A : memref<!tpu.dma_semaphore, #tpu.memory_space<semaphore_mem>>) src(%arg3 : memref<128xf32, #tpu.memory_space<hbm>>) dst(%arg7 : memref<128xf32, #tpu.memory_space<vmem>>)
      tpu.yield
    }) : () -> ()
    %mul3A_3 = arith.constant 80 : i32
    %mul3A_4 = arith.muli %add3A, %mul3A_3 : i32
    "tpu.region"() ({
      %run_scoped3A = tpu.sem_alloc : memref<!tpu.dma_semaphore, #tpu.memory_space<semaphore_mem>>
      %dma_start3A = arith.constant 0 : i32
      %dma_start3A_15 = tpu.memref_slice %arg2[%mul3A_4, %dma_start3A] : memref<2560x128xi32, #tpu.memory_space<hbm>> -> memref<80x128xi32, #tpu.memory_space<hbm>>
      %dma_start3A_16 = arith.constant 0 : i32
      %dma_start3A_17 = tpu.memref_slice %arg2[%mul3A_4, %dma_start3A_16] : memref<2560x128xi32, #tpu.memory_space<hbm>> -> memref<80x128xi32, #tpu.memory_space<hbm>>
      tpu.enqueue_dma source(%dma_start3A_17 : memref<80x128xi32, #tpu.memory_space<hbm>>) target(%arg6 : memref<80x128xi32, #tpu.memory_space<vmem>>) target_semaphore(%run_scoped3A : memref<!tpu.dma_semaphore, #tpu.memory_space<semaphore_mem>>)
      %dma_wait3A = arith.constant 0 : i32
      %dma_wait3A_18 = tpu.memref_slice %arg2[%mul3A_4, %dma_wait3A] : memref<2560x128xi32, #tpu.memory_space<hbm>> -> memref<80x128xi32, #tpu.memory_space<hbm>>
      %dma_wait3A_19 = arith.constant 0 : i32
      %dma_wait3A_20 = tpu.memref_slice %arg2[%mul3A_4, %dma_wait3A_19] : memref<2560x128xi32, #tpu.memory_space<hbm>> -> memref<80x128xi32, #tpu.memory_space<hbm>>
      tpu.wait_dma2 semaphore(%run_scoped3A : memref<!tpu.dma_semaphore, #tpu.memory_space<semaphore_mem>>) src(%dma_wait3A_20 : memref<80x128xi32, #tpu.memory_space<hbm>>) dst(%arg6 : memref<80x128xi32, #tpu.memory_space<vmem>>)
      tpu.yield
    }) : () -> ()
    %barrier3A = arith.constant 0 : index
    tpu.barrier barrier_id(%barrier3A)
    %scan3A = arith.constant 0 : i32
    %scan3A_5 = arith.constant 0 : i32
    %scan3A_6 = arith.constant 80 : i32
    %scan3A_7 = arith.addi %scan3A_5, %scan3A_6 : i32
    %scan3A_8 = arith.constant 1 : i32
    scf.for %scan3A_15 = %scan3A_5 to %scan3A_7 step %scan3A_8  : i32 {
      "tpu.region"() ({
        %run_scoped3A = tpu.sem_alloc : memref<!tpu.dma_semaphore, #tpu.memory_space<semaphore_mem>>
        %dma_start3A = arith.constant 0 : i32
        %dma_start3A_16 = tpu.memref_slice %arg6[%scan3A_15, %dma_start3A] : memref<80x128xi32, #tpu.memory_space<vmem>> -> memref<1x128xi32, #tpu.memory_space<vmem>>
        %dma_start3A_17 = tpu.memref_squeeze %dma_start3A_16 : memref<1x128xi32, #tpu.memory_space<vmem>> -> memref<128xi32, #tpu.memory_space<vmem>>
        %dma_start3A_18 = arith.constant 0 : i32
        %dma_start3A_19 = tpu.memref_slice %arg8[%dma_start3A_18] : memref<10240xf32, #tpu.memory_space<vmem_shared>> -> memref<10240xf32, #tpu.memory_space<vmem_shared>>
        tpu.enqueue_indirect_dma source(%arg7 : memref<128xf32, #tpu.memory_space<vmem>>) target(%dma_start3A_19 : memref<10240xf32, #tpu.memory_space<vmem_shared>>) offsets(%dma_start3A_17 : memref<128xi32, #tpu.memory_space<vmem>>) semaphore(%run_scoped3A : memref<!tpu.dma_semaphore, #tpu.memory_space<semaphore_mem>>) {add = true}
        %dma_wait3A = arith.constant 0 : i32
        %dma_wait3A_20 = tpu.memref_slice %arg6[%scan3A_15, %dma_wait3A] : memref<80x128xi32, #tpu.memory_space<vmem>> -> memref<1x128xi32, #tpu.memory_space<vmem>>
        %dma_wait3A_21 = tpu.memref_squeeze %dma_wait3A_20 : memref<1x128xi32, #tpu.memory_space<vmem>> -> memref<128xi32, #tpu.memory_space<vmem>>
        %dma_wait3A_22 = arith.constant 0 : i32
        %dma_wait3A_23 = tpu.memref_slice %arg8[%dma_wait3A_22] : memref<10240xf32, #tpu.memory_space<vmem_shared>> -> memref<10240xf32, #tpu.memory_space<vmem_shared>>
        tpu.wait_indirect_dma semaphore(%run_scoped3A : memref<!tpu.dma_semaphore, #tpu.memory_space<semaphore_mem>>) src(%arg7 : memref<128xf32, #tpu.memory_space<vmem>>) dst(%dma_wait3A_23 : memref<10240xf32, #tpu.memory_space<vmem_shared>>)
        tpu.yield
      }) : () -> ()
    }
    %scan3A_9 = arith.constant 80 : i32
    %barrier3A_10 = arith.constant 0 : index
    tpu.barrier barrier_id(%barrier3A_10)
    %mul3A_11 = arith.constant 640 : i32
    %mul3A_12 = arith.muli %arg1, %mul3A_11 : i32
    %mul3A_13 = arith.constant 640 : i32
    %mul3A_14 = arith.muli %arg1, %mul3A_13 : i32
    "tpu.region"() ({
      %run_scoped3A = tpu.sem_alloc : memref<!tpu.dma_semaphore, #tpu.memory_space<semaphore_mem>>
      %dma_start3A = tpu.memref_slice %arg5[%arg0, %mul3A_14] : memref<2x10240xf32, #tpu.memory_space<hbm>> -> memref<1x640xf32, #tpu.memory_space<hbm>>
      %dma_start3A_15 = tpu.memref_squeeze %dma_start3A : memref<1x640xf32, #tpu.memory_space<hbm>> -> memref<640xf32, #tpu.memory_space<hbm>>
      %dma_start3A_16 = tpu.memref_slice %arg8[%mul3A_12] : memref<10240xf32, #tpu.memory_space<vmem_shared>> -> memref<640xf32, #tpu.memory_space<vmem_shared>>
      tpu.enqueue_dma source(%dma_start3A_16 : memref<640xf32, #tpu.memory_space<vmem_shared>>) target(%dma_start3A_15 : memref<640xf32, #tpu.memory_space<hbm>>) target_semaphore(%run_scoped3A : memref<!tpu.dma_semaphore, #tpu.memory_space<semaphore_mem>>)
      %dma_wait3A = tpu.memref_slice %arg5[%arg0, %mul3A_14] : memref<2x10240xf32, #tpu.memory_space<hbm>> -> memref<1x640xf32, #tpu.memory_space<hbm>>
      %dma_wait3A_17 = tpu.memref_squeeze %dma_wait3A : memref<1x640xf32, #tpu.memory_space<hbm>> -> memref<640xf32, #tpu.memory_space<hbm>>
      %dma_wait3A_18 = tpu.memref_slice %arg8[%mul3A_12] : memref<10240xf32, #tpu.memory_space<vmem_shared>> -> memref<640xf32, #tpu.memory_space<vmem_shared>>
      tpu.wait_dma2 semaphore(%run_scoped3A : memref<!tpu.dma_semaphore, #tpu.memory_space<semaphore_mem>>) src(%dma_wait3A_18 : memref<640xf32, #tpu.memory_space<vmem_shared>>) dst(%dma_wait3A_17 : memref<640xf32, #tpu.memory_space<hbm>>)
      tpu.yield
    }) : () -> ()
    return
  }
}

#map = affine_map<(d0, d1) -> (0, 0)>
#map1 = affine_map<(d0, d1) -> (0, 0, 0)>
module attributes {stable_mosaic.version = 14 : i64} {
  func.func @body(%arg0: i32, %arg1: i32, %arg2: memref<10240x128xf32, #tpu.memory_space<hbm>>, %arg3: memref<2560x128xi32, #tpu.memory_space<hbm>>, %arg4: memref<2560x128xi32, #tpu.memory_space<hbm>>, %arg5: memref<640x128xf32, #tpu.memory_space<hbm>>, %arg6: memref<2x10240x128xf32, #tpu.memory_space<hbm>>, %arg7: memref<80x128xi32, #tpu.memory_space<vmem>>, %arg8: memref<80x128xi32, #tpu.memory_space<vmem>>, %arg9: memref<128x128xf32, #tpu.memory_space<vmem>>, %arg10: memref<10240x128xf32, #tpu.memory_space<vmem_shared>>, %arg11: memref<!tpu.dma_semaphore, #tpu.memory_space<semaphore_mem>>) attributes {dimension_semantics = [#tpu.dimension_semantics<core_parallel>, #tpu.dimension_semantics<subcore_parallel>], iteration_bounds = array<i64: 2, 16>, scalar_prefetch = 0 : i64, scratch_operands = 5 : i64, tpu.core_type = #tpu.core_type<sc_vector_subcore>, window_params = [{transform_indices = #map}, {transform_indices = #map}, {transform_indices = #map}, {transform_indices = #map}, {transform_indices = #map1}]} {
    %mul3A = arith.constant 2 : i32
    %mul3A_0 = arith.muli %arg1, %mul3A : i32
    %add3A = arith.addi %mul3A_0, %arg0 : i32
    %mul3A_1 = arith.constant 640 : i32
    %mul3A_2 = arith.muli %arg1, %mul3A_1 : i32
    "tpu.region"() ({
      %run_scoped3A = tpu.sem_alloc : memref<!tpu.dma_semaphore, #tpu.memory_space<semaphore_mem>>
      %dma_start3A = arith.constant 0 : i32
      %dma_start3A_17 = tpu.memref_slice %arg10[%mul3A_2, %dma_start3A] : memref<10240x128xf32, #tpu.memory_space<vmem_shared>> -> memref<640x128xf32, #tpu.memory_space<vmem_shared>>
      tpu.enqueue_dma source(%arg5 : memref<640x128xf32, #tpu.memory_space<hbm>>) target(%dma_start3A_17 : memref<640x128xf32, #tpu.memory_space<vmem_shared>>) target_semaphore(%run_scoped3A : memref<!tpu.dma_semaphore, #tpu.memory_space<semaphore_mem>>)
      %dma_wait3A = arith.constant 0 : i32
      %dma_wait3A_18 = tpu.memref_slice %arg10[%mul3A_2, %dma_wait3A] : memref<10240x128xf32, #tpu.memory_space<vmem_shared>> -> memref<640x128xf32, #tpu.memory_space<vmem_shared>>
      tpu.wait_dma2 semaphore(%run_scoped3A : memref<!tpu.dma_semaphore, #tpu.memory_space<semaphore_mem>>) src(%arg5 : memref<640x128xf32, #tpu.memory_space<hbm>>) dst(%dma_wait3A_18 : memref<640x128xf32, #tpu.memory_space<vmem_shared>>)
      tpu.yield
    }) : () -> ()
    %mul3A_3 = arith.constant 80 : i32
    %mul3A_4 = arith.muli %add3A, %mul3A_3 : i32
    "tpu.region"() ({
      %run_scoped3A = tpu.sem_alloc : memref<!tpu.dma_semaphore, #tpu.memory_space<semaphore_mem>>
      %dma_start3A = arith.constant 0 : i32
      %dma_start3A_17 = tpu.memref_slice %arg3[%mul3A_4, %dma_start3A] : memref<2560x128xi32, #tpu.memory_space<hbm>> -> memref<80x128xi32, #tpu.memory_space<hbm>>
      %dma_start3A_18 = arith.constant 0 : i32
      %dma_start3A_19 = tpu.memref_slice %arg3[%mul3A_4, %dma_start3A_18] : memref<2560x128xi32, #tpu.memory_space<hbm>> -> memref<80x128xi32, #tpu.memory_space<hbm>>
      tpu.enqueue_dma source(%dma_start3A_19 : memref<80x128xi32, #tpu.memory_space<hbm>>) target(%arg7 : memref<80x128xi32, #tpu.memory_space<vmem>>) target_semaphore(%run_scoped3A : memref<!tpu.dma_semaphore, #tpu.memory_space<semaphore_mem>>)
      %dma_wait3A = arith.constant 0 : i32
      %dma_wait3A_20 = tpu.memref_slice %arg3[%mul3A_4, %dma_wait3A] : memref<2560x128xi32, #tpu.memory_space<hbm>> -> memref<80x128xi32, #tpu.memory_space<hbm>>
      %dma_wait3A_21 = arith.constant 0 : i32
      %dma_wait3A_22 = tpu.memref_slice %arg3[%mul3A_4, %dma_wait3A_21] : memref<2560x128xi32, #tpu.memory_space<hbm>> -> memref<80x128xi32, #tpu.memory_space<hbm>>
      tpu.wait_dma2 semaphore(%run_scoped3A : memref<!tpu.dma_semaphore, #tpu.memory_space<semaphore_mem>>) src(%dma_wait3A_22 : memref<80x128xi32, #tpu.memory_space<hbm>>) dst(%arg7 : memref<80x128xi32, #tpu.memory_space<vmem>>)
      tpu.yield
    }) : () -> ()
    %mul3A_5 = arith.constant 80 : i32
    %mul3A_6 = arith.muli %add3A, %mul3A_5 : i32
    "tpu.region"() ({
      %run_scoped3A = tpu.sem_alloc : memref<!tpu.dma_semaphore, #tpu.memory_space<semaphore_mem>>
      %dma_start3A = arith.constant 0 : i32
      %dma_start3A_17 = tpu.memref_slice %arg4[%mul3A_6, %dma_start3A] : memref<2560x128xi32, #tpu.memory_space<hbm>> -> memref<80x128xi32, #tpu.memory_space<hbm>>
      %dma_start3A_18 = arith.constant 0 : i32
      %dma_start3A_19 = tpu.memref_slice %arg4[%mul3A_6, %dma_start3A_18] : memref<2560x128xi32, #tpu.memory_space<hbm>> -> memref<80x128xi32, #tpu.memory_space<hbm>>
      tpu.enqueue_dma source(%dma_start3A_19 : memref<80x128xi32, #tpu.memory_space<hbm>>) target(%arg8 : memref<80x128xi32, #tpu.memory_space<vmem>>) target_semaphore(%run_scoped3A : memref<!tpu.dma_semaphore, #tpu.memory_space<semaphore_mem>>)
      %dma_wait3A = arith.constant 0 : i32
      %dma_wait3A_20 = tpu.memref_slice %arg4[%mul3A_6, %dma_wait3A] : memref<2560x128xi32, #tpu.memory_space<hbm>> -> memref<80x128xi32, #tpu.memory_space<hbm>>
      %dma_wait3A_21 = arith.constant 0 : i32
      %dma_wait3A_22 = tpu.memref_slice %arg4[%mul3A_6, %dma_wait3A_21] : memref<2560x128xi32, #tpu.memory_space<hbm>> -> memref<80x128xi32, #tpu.memory_space<hbm>>
      tpu.wait_dma2 semaphore(%run_scoped3A : memref<!tpu.dma_semaphore, #tpu.memory_space<semaphore_mem>>) src(%dma_wait3A_22 : memref<80x128xi32, #tpu.memory_space<hbm>>) dst(%arg8 : memref<80x128xi32, #tpu.memory_space<vmem>>)
      tpu.yield
    }) : () -> ()
    %barrier3A = arith.constant 0 : index
    tpu.barrier barrier_id(%barrier3A)
    %scan3A = arith.constant 0 : i32
    %scan3A_7 = arith.constant 0 : i32
    %scan3A_8 = arith.constant 80 : i32
    %scan3A_9 = arith.addi %scan3A_7, %scan3A_8 : i32
    %scan3A_10 = arith.constant 1 : i32
    scf.for %scan3A_17 = %scan3A_7 to %scan3A_9 step %scan3A_10  : i32 {
      %dma_start3A = arith.constant 0 : i32
      %dma_start3A_18 = tpu.memref_slice %arg7[%scan3A_17, %dma_start3A] : memref<80x128xi32, #tpu.memory_space<vmem>> -> memref<1x128xi32, #tpu.memory_space<vmem>>
      %dma_start3A_19 = tpu.memref_squeeze %dma_start3A_18 : memref<1x128xi32, #tpu.memory_space<vmem>> -> memref<128xi32, #tpu.memory_space<vmem>>
      %dma_start3A_20 = arith.constant 0 : i32
      %dma_start3A_21 = arith.constant 0 : i32
      %dma_start3A_22 = tpu.memref_slice %arg2[%dma_start3A_20, %dma_start3A_21] : memref<10240x128xf32, #tpu.memory_space<hbm>> -> memref<10240x128xf32, #tpu.memory_space<hbm>>
      tpu.enqueue_indirect_dma source(%dma_start3A_22 : memref<10240x128xf32, #tpu.memory_space<hbm>>) target(%arg9 : memref<128x128xf32, #tpu.memory_space<vmem>>) offsets(%dma_start3A_19 : memref<128xi32, #tpu.memory_space<vmem>>) semaphore(%arg11 : memref<!tpu.dma_semaphore, #tpu.memory_space<semaphore_mem>>)
      %dma_wait3A = arith.constant 0 : i32
      %dma_wait3A_23 = tpu.memref_slice %arg7[%scan3A_17, %dma_wait3A] : memref<80x128xi32, #tpu.memory_space<vmem>> -> memref<1x128xi32, #tpu.memory_space<vmem>>
      %dma_wait3A_24 = tpu.memref_squeeze %dma_wait3A_23 : memref<1x128xi32, #tpu.memory_space<vmem>> -> memref<128xi32, #tpu.memory_space<vmem>>
      %dma_wait3A_25 = arith.constant 0 : i32
      %dma_wait3A_26 = arith.constant 0 : i32
      %dma_wait3A_27 = tpu.memref_slice %arg2[%dma_wait3A_25, %dma_wait3A_26] : memref<10240x128xf32, #tpu.memory_space<hbm>> -> memref<10240x128xf32, #tpu.memory_space<hbm>>
      tpu.wait_indirect_dma semaphore(%arg11 : memref<!tpu.dma_semaphore, #tpu.memory_space<semaphore_mem>>) src(%dma_wait3A_27 : memref<10240x128xf32, #tpu.memory_space<hbm>>) dst(%arg9 : memref<128x128xf32, #tpu.memory_space<vmem>>)
      "tpu.region"() ({
        %run_scoped3A = tpu.sem_alloc : memref<!tpu.dma_semaphore, #tpu.memory_space<semaphore_mem>>
        %dma_start3A_28 = arith.constant 0 : i32
        %dma_start3A_29 = tpu.memref_slice %arg8[%scan3A_17, %dma_start3A_28] : memref<80x128xi32, #tpu.memory_space<vmem>> -> memref<1x128xi32, #tpu.memory_space<vmem>>
        %dma_start3A_30 = tpu.memref_squeeze %dma_start3A_29 : memref<1x128xi32, #tpu.memory_space<vmem>> -> memref<128xi32, #tpu.memory_space<vmem>>
        %dma_start3A_31 = arith.constant 0 : i32
        %dma_start3A_32 = arith.constant 0 : i32
        %dma_start3A_33 = tpu.memref_slice %arg10[%dma_start3A_31, %dma_start3A_32] : memref<10240x128xf32, #tpu.memory_space<vmem_shared>> -> memref<10240x128xf32, #tpu.memory_space<vmem_shared>>
        tpu.enqueue_indirect_dma source(%arg9 : memref<128x128xf32, #tpu.memory_space<vmem>>) target(%dma_start3A_33 : memref<10240x128xf32, #tpu.memory_space<vmem_shared>>) offsets(%dma_start3A_30 : memref<128xi32, #tpu.memory_space<vmem>>) semaphore(%run_scoped3A : memref<!tpu.dma_semaphore, #tpu.memory_space<semaphore_mem>>) {add = true}
        %dma_wait3A_34 = arith.constant 0 : i32
        %dma_wait3A_35 = tpu.memref_slice %arg8[%scan3A_17, %dma_wait3A_34] : memref<80x128xi32, #tpu.memory_space<vmem>> -> memref<1x128xi32, #tpu.memory_space<vmem>>
        %dma_wait3A_36 = tpu.memref_squeeze %dma_wait3A_35 : memref<1x128xi32, #tpu.memory_space<vmem>> -> memref<128xi32, #tpu.memory_space<vmem>>
        %dma_wait3A_37 = arith.constant 0 : i32
        %dma_wait3A_38 = arith.constant 0 : i32
        %dma_wait3A_39 = tpu.memref_slice %arg10[%dma_wait3A_37, %dma_wait3A_38] : memref<10240x128xf32, #tpu.memory_space<vmem_shared>> -> memref<10240x128xf32, #tpu.memory_space<vmem_shared>>
        tpu.wait_indirect_dma semaphore(%run_scoped3A : memref<!tpu.dma_semaphore, #tpu.memory_space<semaphore_mem>>) src(%arg9 : memref<128x128xf32, #tpu.memory_space<vmem>>) dst(%dma_wait3A_39 : memref<10240x128xf32, #tpu.memory_space<vmem_shared>>)
        tpu.yield
      }) : () -> ()
    }
    %scan3A_11 = arith.constant 80 : i32
    %barrier3A_12 = arith.constant 0 : index
    tpu.barrier barrier_id(%barrier3A_12)
    %mul3A_13 = arith.constant 640 : i32
    %mul3A_14 = arith.muli %arg1, %mul3A_13 : i32
    %mul3A_15 = arith.constant 640 : i32
    %mul3A_16 = arith.muli %arg1, %mul3A_15 : i32
    "tpu.region"() ({
      %run_scoped3A = tpu.sem_alloc : memref<!tpu.dma_semaphore, #tpu.memory_space<semaphore_mem>>
      %dma_start3A = arith.constant 0 : i32
      %dma_start3A_17 = tpu.memref_slice %arg6[%arg0, %mul3A_16, %dma_start3A] : memref<2x10240x128xf32, #tpu.memory_space<hbm>> -> memref<1x640x128xf32, #tpu.memory_space<hbm>>
      %dma_start3A_18 = tpu.memref_squeeze %dma_start3A_17 : memref<1x640x128xf32, #tpu.memory_space<hbm>> -> memref<640x128xf32, #tpu.memory_space<hbm>>
      %dma_start3A_19 = arith.constant 0 : i32
      %dma_start3A_20 = tpu.memref_slice %arg10[%mul3A_14, %dma_start3A_19] : memref<10240x128xf32, #tpu.memory_space<vmem_shared>> -> memref<640x128xf32, #tpu.memory_space<vmem_shared>>
      tpu.enqueue_dma source(%dma_start3A_20 : memref<640x128xf32, #tpu.memory_space<vmem_shared>>) target(%dma_start3A_18 : memref<640x128xf32, #tpu.memory_space<hbm>>) target_semaphore(%run_scoped3A : memref<!tpu.dma_semaphore, #tpu.memory_space<semaphore_mem>>)
      %dma_wait3A = arith.constant 0 : i32
      %dma_wait3A_21 = tpu.memref_slice %arg6[%arg0, %mul3A_16, %dma_wait3A] : memref<2x10240x128xf32, #tpu.memory_space<hbm>> -> memref<1x640x128xf32, #tpu.memory_space<hbm>>
      %dma_wait3A_22 = tpu.memref_squeeze %dma_wait3A_21 : memref<1x640x128xf32, #tpu.memory_space<hbm>> -> memref<640x128xf32, #tpu.memory_space<hbm>>
      %dma_wait3A_23 = arith.constant 0 : i32
      %dma_wait3A_24 = tpu.memref_slice %arg10[%mul3A_14, %dma_wait3A_23] : memref<10240x128xf32, #tpu.memory_space<vmem_shared>> -> memref<640x128xf32, #tpu.memory_space<vmem_shared>>
      tpu.wait_dma2 semaphore(%run_scoped3A : memref<!tpu.dma_semaphore, #tpu.memory_space<semaphore_mem>>) src(%dma_wait3A_24 : memref<640x128xf32, #tpu.memory_space<vmem_shared>>) dst(%dma_wait3A_22 : memref<640x128xf32, #tpu.memory_space<hbm>>)
      tpu.yield
    }) : () -> ()
    return
  }
}

#map = affine_map<(d0, d1) -> (0, 0)>
#map1 = affine_map<(d0, d1) -> (0, 0, 0)>
module attributes {stable_mosaic.version = 14 : i64} {
  func.func @body(%arg0: i32, %arg1: i32, %arg2: memref<10240x128xf32, #tpu.memory_space<hbm>>, %arg3: memref<2560x128xi32, #tpu.memory_space<hbm>>, %arg4: memref<2560x128xi32, #tpu.memory_space<hbm>>, %arg5: memref<640x128xf32, #tpu.memory_space<hbm>>, %arg6: memref<2x10240x128xf32, #tpu.memory_space<hbm>>, %arg7: memref<80x128xi32, #tpu.memory_space<vmem>>, %arg8: memref<80x128xi32, #tpu.memory_space<vmem>>, %arg9: memref<128x128xf32, #tpu.memory_space<vmem>>, %arg10: memref<10240x128xf32, #tpu.memory_space<vmem_shared>>, %arg11: memref<!tpu.dma_semaphore, #tpu.memory_space<semaphore_mem>>) attributes {dimension_semantics = [#tpu.dimension_semantics<core_parallel>, #tpu.dimension_semantics<subcore_parallel>], iteration_bounds = array<i64: 2, 16>, scalar_prefetch = 0 : i64, scratch_operands = 5 : i64, tpu.core_type = #tpu.core_type<sc_vector_subcore>, window_params = [{transform_indices = #map}, {transform_indices = #map}, {transform_indices = #map}, {transform_indices = #map}, {transform_indices = #map1}]} {
    %mul3A = arith.constant 2 : i32
    %mul3A_0 = arith.muli %arg1, %mul3A : i32
    %add3A = arith.addi %mul3A_0, %arg0 : i32
    %mul3A_1 = arith.constant 640 : i32
    %mul3A_2 = arith.muli %arg1, %mul3A_1 : i32
    "tpu.region"() ({
      %run_scoped3A = tpu.sem_alloc : memref<!tpu.dma_semaphore, #tpu.memory_space<semaphore_mem>>
      %dma_start3A = arith.constant 0 : i32
      %dma_start3A_17 = tpu.memref_slice %arg10[%mul3A_2, %dma_start3A] : memref<10240x128xf32, #tpu.memory_space<vmem_shared>> -> memref<640x128xf32, #tpu.memory_space<vmem_shared>>
      tpu.enqueue_dma source(%arg5 : memref<640x128xf32, #tpu.memory_space<hbm>>) target(%dma_start3A_17 : memref<640x128xf32, #tpu.memory_space<vmem_shared>>) target_semaphore(%run_scoped3A : memref<!tpu.dma_semaphore, #tpu.memory_space<semaphore_mem>>)
      %dma_wait3A = arith.constant 0 : i32
      %dma_wait3A_18 = tpu.memref_slice %arg10[%mul3A_2, %dma_wait3A] : memref<10240x128xf32, #tpu.memory_space<vmem_shared>> -> memref<640x128xf32, #tpu.memory_space<vmem_shared>>
      tpu.wait_dma2 semaphore(%run_scoped3A : memref<!tpu.dma_semaphore, #tpu.memory_space<semaphore_mem>>) src(%arg5 : memref<640x128xf32, #tpu.memory_space<hbm>>) dst(%dma_wait3A_18 : memref<640x128xf32, #tpu.memory_space<vmem_shared>>)
      tpu.yield
    }) : () -> ()
    %mul3A_3 = arith.constant 80 : i32
    %mul3A_4 = arith.muli %add3A, %mul3A_3 : i32
    "tpu.region"() ({
      %run_scoped3A = tpu.sem_alloc : memref<!tpu.dma_semaphore, #tpu.memory_space<semaphore_mem>>
      %dma_start3A = arith.constant 0 : i32
      %dma_start3A_17 = tpu.memref_slice %arg3[%mul3A_4, %dma_start3A] : memref<2560x128xi32, #tpu.memory_space<hbm>> -> memref<80x128xi32, #tpu.memory_space<hbm>>
      %dma_start3A_18 = arith.constant 0 : i32
      %dma_start3A_19 = tpu.memref_slice %arg3[%mul3A_4, %dma_start3A_18] : memref<2560x128xi32, #tpu.memory_space<hbm>> -> memref<80x128xi32, #tpu.memory_space<hbm>>
      tpu.enqueue_dma source(%dma_start3A_19 : memref<80x128xi32, #tpu.memory_space<hbm>>) target(%arg7 : memref<80x128xi32, #tpu.memory_space<vmem>>) target_semaphore(%run_scoped3A : memref<!tpu.dma_semaphore, #tpu.memory_space<semaphore_mem>>)
      %dma_wait3A = arith.constant 0 : i32
      %dma_wait3A_20 = tpu.memref_slice %arg3[%mul3A_4, %dma_wait3A] : memref<2560x128xi32, #tpu.memory_space<hbm>> -> memref<80x128xi32, #tpu.memory_space<hbm>>
      %dma_wait3A_21 = arith.constant 0 : i32
      %dma_wait3A_22 = tpu.memref_slice %arg3[%mul3A_4, %dma_wait3A_21] : memref<2560x128xi32, #tpu.memory_space<hbm>> -> memref<80x128xi32, #tpu.memory_space<hbm>>
      tpu.wait_dma2 semaphore(%run_scoped3A : memref<!tpu.dma_semaphore, #tpu.memory_space<semaphore_mem>>) src(%dma_wait3A_22 : memref<80x128xi32, #tpu.memory_space<hbm>>) dst(%arg7 : memref<80x128xi32, #tpu.memory_space<vmem>>)
      tpu.yield
    }) : () -> ()
    %mul3A_5 = arith.constant 80 : i32
    %mul3A_6 = arith.muli %add3A, %mul3A_5 : i32
    "tpu.region"() ({
      %run_scoped3A = tpu.sem_alloc : memref<!tpu.dma_semaphore, #tpu.memory_space<semaphore_mem>>
      %dma_start3A = arith.constant 0 : i32
      %dma_start3A_17 = tpu.memref_slice %arg4[%mul3A_6, %dma_start3A] : memref<2560x128xi32, #tpu.memory_space<hbm>> -> memref<80x128xi32, #tpu.memory_space<hbm>>
      %dma_start3A_18 = arith.constant 0 : i32
      %dma_start3A_19 = tpu.memref_slice %arg4[%mul3A_6, %dma_start3A_18] : memref<2560x128xi32, #tpu.memory_space<hbm>> -> memref<80x128xi32, #tpu.memory_space<hbm>>
      tpu.enqueue_dma source(%dma_start3A_19 : memref<80x128xi32, #tpu.memory_space<hbm>>) target(%arg8 : memref<80x128xi32, #tpu.memory_space<vmem>>) target_semaphore(%run_scoped3A : memref<!tpu.dma_semaphore, #tpu.memory_space<semaphore_mem>>)
      %dma_wait3A = arith.constant 0 : i32
      %dma_wait3A_20 = tpu.memref_slice %arg4[%mul3A_6, %dma_wait3A] : memref<2560x128xi32, #tpu.memory_space<hbm>> -> memref<80x128xi32, #tpu.memory_space<hbm>>
      %dma_wait3A_21 = arith.constant 0 : i32
      %dma_wait3A_22 = tpu.memref_slice %arg4[%mul3A_6, %dma_wait3A_21] : memref<2560x128xi32, #tpu.memory_space<hbm>> -> memref<80x128xi32, #tpu.memory_space<hbm>>
      tpu.wait_dma2 semaphore(%run_scoped3A : memref<!tpu.dma_semaphore, #tpu.memory_space<semaphore_mem>>) src(%dma_wait3A_22 : memref<80x128xi32, #tpu.memory_space<hbm>>) dst(%arg8 : memref<80x128xi32, #tpu.memory_space<vmem>>)
      tpu.yield
    }) : () -> ()
    %barrier3A = arith.constant 0 : index
    tpu.barrier barrier_id(%barrier3A)
    %scan3A = arith.constant 0 : i32
    %scan3A_7 = arith.constant 0 : i32
    %scan3A_8 = arith.constant 80 : i32
    %scan3A_9 = arith.addi %scan3A_7, %scan3A_8 : i32
    %scan3A_10 = arith.constant 1 : i32
    scf.for %scan3A_17 = %scan3A_7 to %scan3A_9 step %scan3A_10  : i32 {
      %dma_start3A = arith.constant 0 : i32
      %dma_start3A_18 = tpu.memref_slice %arg7[%scan3A_17, %dma_start3A] : memref<80x128xi32, #tpu.memory_space<vmem>> -> memref<1x128xi32, #tpu.memory_space<vmem>>
      %dma_start3A_19 = tpu.memref_squeeze %dma_start3A_18 : memref<1x128xi32, #tpu.memory_space<vmem>> -> memref<128xi32, #tpu.memory_space<vmem>>
      %dma_start3A_20 = arith.constant 0 : i32
      %dma_start3A_21 = arith.constant 0 : i32
      %dma_start3A_22 = tpu.memref_slice %arg2[%dma_start3A_20, %dma_start3A_21] : memref<10240x128xf32, #tpu.memory_space<hbm>> -> memref<10240x128xf32, #tpu.memory_space<hbm>>
      tpu.enqueue_indirect_dma source(%dma_start3A_22 : memref<10240x128xf32, #tpu.memory_space<hbm>>) target(%arg9 : memref<128x128xf32, #tpu.memory_space<vmem>>) offsets(%dma_start3A_19 : memref<128xi32, #tpu.memory_space<vmem>>) semaphore(%arg11 : memref<!tpu.dma_semaphore, #tpu.memory_space<semaphore_mem>>)
      %dma_wait3A = arith.constant 0 : i32
      %dma_wait3A_23 = tpu.memref_slice %arg7[%scan3A_17, %dma_wait3A] : memref<80x128xi32, #tpu.memory_space<vmem>> -> memref<1x128xi32, #tpu.memory_space<vmem>>
      %dma_wait3A_24 = tpu.memref_squeeze %dma_wait3A_23 : memref<1x128xi32, #tpu.memory_space<vmem>> -> memref<128xi32, #tpu.memory_space<vmem>>
      %dma_wait3A_25 = arith.constant 0 : i32
      %dma_wait3A_26 = arith.constant 0 : i32
      %dma_wait3A_27 = tpu.memref_slice %arg2[%dma_wait3A_25, %dma_wait3A_26] : memref<10240x128xf32, #tpu.memory_space<hbm>> -> memref<10240x128xf32, #tpu.memory_space<hbm>>
      tpu.wait_indirect_dma semaphore(%arg11 : memref<!tpu.dma_semaphore, #tpu.memory_space<semaphore_mem>>) src(%dma_wait3A_27 : memref<10240x128xf32, #tpu.memory_space<hbm>>) dst(%arg9 : memref<128x128xf32, #tpu.memory_space<vmem>>)
      "tpu.region"() ({
        %run_scoped3A = tpu.sem_alloc : memref<!tpu.dma_semaphore, #tpu.memory_space<semaphore_mem>>
        %dma_start3A_28 = arith.constant 0 : i32
        %dma_start3A_29 = tpu.memref_slice %arg8[%scan3A_17, %dma_start3A_28] : memref<80x128xi32, #tpu.memory_space<vmem>> -> memref<1x128xi32, #tpu.memory_space<vmem>>
        %dma_start3A_30 = tpu.memref_squeeze %dma_start3A_29 : memref<1x128xi32, #tpu.memory_space<vmem>> -> memref<128xi32, #tpu.memory_space<vmem>>
        %dma_start3A_31 = arith.constant 0 : i32
        %dma_start3A_32 = arith.constant 0 : i32
        %dma_start3A_33 = tpu.memref_slice %arg10[%dma_start3A_31, %dma_start3A_32] : memref<10240x128xf32, #tpu.memory_space<vmem_shared>> -> memref<10240x128xf32, #tpu.memory_space<vmem_shared>>
        tpu.enqueue_indirect_dma source(%arg9 : memref<128x128xf32, #tpu.memory_space<vmem>>) target(%dma_start3A_33 : memref<10240x128xf32, #tpu.memory_space<vmem_shared>>) offsets(%dma_start3A_30 : memref<128xi32, #tpu.memory_space<vmem>>) semaphore(%run_scoped3A : memref<!tpu.dma_semaphore, #tpu.memory_space<semaphore_mem>>) {add = true}
        %dma_wait3A_34 = arith.constant 0 : i32
        %dma_wait3A_35 = tpu.memref_slice %arg8[%scan3A_17, %dma_wait3A_34] : memref<80x128xi32, #tpu.memory_space<vmem>> -> memref<1x128xi32, #tpu.memory_space<vmem>>
        %dma_wait3A_36 = tpu.memref_squeeze %dma_wait3A_35 : memref<1x128xi32, #tpu.memory_space<vmem>> -> memref<128xi32, #tpu.memory_space<vmem>>
        %dma_wait3A_37 = arith.constant 0 : i32
        %dma_wait3A_38 = arith.constant 0 : i32
        %dma_wait3A_39 = tpu.memref_slice %arg10[%dma_wait3A_37, %dma_wait3A_38] : memref<10240x128xf32, #tpu.memory_space<vmem_shared>> -> memref<10240x128xf32, #tpu.memory_space<vmem_shared>>
        tpu.wait_indirect_dma semaphore(%run_scoped3A : memref<!tpu.dma_semaphore, #tpu.memory_space<semaphore_mem>>) src(%arg9 : memref<128x128xf32, #tpu.memory_space<vmem>>) dst(%dma_wait3A_39 : memref<10240x128xf32, #tpu.memory_space<vmem_shared>>)
        tpu.yield
      }) : () -> ()
    }
    %scan3A_11 = arith.constant 80 : i32
    %barrier3A_12 = arith.constant 0 : index
    tpu.barrier barrier_id(%barrier3A_12)
    %mul3A_13 = arith.constant 640 : i32
    %mul3A_14 = arith.muli %arg1, %mul3A_13 : i32
    %mul3A_15 = arith.constant 640 : i32
    %mul3A_16 = arith.muli %arg1, %mul3A_15 : i32
    "tpu.region"() ({
      %run_scoped3A = tpu.sem_alloc : memref<!tpu.dma_semaphore, #tpu.memory_space<semaphore_mem>>
      %dma_start3A = arith.constant 0 : i32
      %dma_start3A_17 = tpu.memref_slice %arg6[%arg0, %mul3A_16, %dma_start3A] : memref<2x10240x128xf32, #tpu.memory_space<hbm>> -> memref<1x640x128xf32, #tpu.memory_space<hbm>>
      %dma_start3A_18 = tpu.memref_squeeze %dma_start3A_17 : memref<1x640x128xf32, #tpu.memory_space<hbm>> -> memref<640x128xf32, #tpu.memory_space<hbm>>
      %dma_start3A_19 = arith.constant 0 : i32
      %dma_start3A_20 = tpu.memref_slice %arg10[%mul3A_14, %dma_start3A_19] : memref<10240x128xf32, #tpu.memory_space<vmem_shared>> -> memref<640x128xf32, #tpu.memory_space<vmem_shared>>
      tpu.enqueue_dma source(%dma_start3A_20 : memref<640x128xf32, #tpu.memory_space<vmem_shared>>) target(%dma_start3A_18 : memref<640x128xf32, #tpu.memory_space<hbm>>) target_semaphore(%run_scoped3A : memref<!tpu.dma_semaphore, #tpu.memory_space<semaphore_mem>>)
      %dma_wait3A = arith.constant 0 : i32
      %dma_wait3A_21 = tpu.memref_slice %arg6[%arg0, %mul3A_16, %dma_wait3A] : memref<2x10240x128xf32, #tpu.memory_space<hbm>> -> memref<1x640x128xf32, #tpu.memory_space<hbm>>
      %dma_wait3A_22 = tpu.memref_squeeze %dma_wait3A_21 : memref<1x640x128xf32, #tpu.memory_space<hbm>> -> memref<640x128xf32, #tpu.memory_space<hbm>>
      %dma_wait3A_23 = arith.constant 0 : i32
      %dma_wait3A_24 = tpu.memref_slice %arg10[%mul3A_14, %dma_wait3A_23] : memref<10240x128xf32, #tpu.memory_space<vmem_shared>> -> memref<640x128xf32, #tpu.memory_space<vmem_shared>>
      tpu.wait_dma2 semaphore(%run_scoped3A : memref<!tpu.dma_semaphore, #tpu.memory_space<semaphore_mem>>) src(%dma_wait3A_24 : memref<640x128xf32, #tpu.memory_space<vmem_shared>>) dst(%dma_wait3A_22 : memref<640x128xf32, #tpu.memory_space<hbm>>)
      tpu.yield
    }) : () -> ()
    return
  }
}

module attributes {stable_mosaic.version = 14 : i64} {
  func.func @_prep_body(%arg0: i32, %arg1: memref<2x512xf32, #tpu.memory_space<vmem>>, %arg2: memref<512x128xf32, #tpu.memory_space<vmem>>, %arg3: memref<128x128xf32, #tpu.memory_space<vmem>>, %arg4: memref<512x128xf32, #tpu.memory_space<vmem>>, %arg5: memref<512xf32, #tpu.memory_space<vmem>>) attributes {dimension_semantics = [#tpu.dimension_semantics<arbitrary>], iteration_bounds = array<i64: 20>, scalar_prefetch = 0 : i64, scratch_operands = 0 : i64, tpu.core_type = #tpu.core_type<tc>, window_params = [{transform_indices = @transform_0, window_bounds = array<i64: 2, 512>}, {transform_indices = @transform_1, window_bounds = array<i64: 512, 128>}, {pipeline_mode = #tpu.pipeline_mode<synchronous>, transform_indices = @transform_2, window_bounds = array<i64: 128, 128>}, {transform_indices = @transform_3, window_bounds = array<i64: 512, 128>}, {transform_indices = @transform_4, window_bounds = array<i64: 512>}]} {
    %get3A = arith.constant 0 : index
    %get3A_0 = arith.constant 0 : index
    %get3A_1 = vector.load %arg1[%get3A, %get3A_0] : memref<2x512xf32, #tpu.memory_space<vmem>>, vector<1x512xf32>
    %get3A_2 = vector.shape_cast %get3A_1 : vector<1x512xf32> to vector<512xf32>
    %get3A_3 = arith.constant 1 : index
    %get3A_4 = arith.constant 0 : index
    %get3A_5 = vector.load %arg1[%get3A_3, %get3A_4] : memref<2x512xf32, #tpu.memory_space<vmem>>, vector<1x512xf32>
    %get3A_6 = vector.shape_cast %get3A_5 : vector<1x512xf32> to vector<512xf32>
    %add3A = arith.addf %get3A_2, %get3A_6 : vector<512xf32>
    %add3A_7 = arith.constant 1.000000e+00 : f32
    %add3A_8 = vector.broadcast %add3A_7 : f32 to vector<512xf32>
    %add3A_9 = arith.addf %add3A, %add3A_8 : vector<512xf32>
    %rsqrt3A = math.rsqrt %add3A_9 : vector<512xf32>
    %get3A_10 = arith.constant 0 : index
    %get3A_11 = arith.constant 0 : index
    %get3A_12 = vector.load %arg2[%get3A_10, %get3A_11] : memref<512x128xf32, #tpu.memory_space<vmem>>, vector<512x128xf32>
    %get3A_13 = arith.constant 0 : index
    %get3A_14 = arith.constant 0 : index
    %get3A_15 = vector.load %arg3[%get3A_13, %get3A_14] : memref<128x128xf32, #tpu.memory_space<vmem>>, vector<128x128xf32>
    %dot_general3A = arith.constant dense<0.000000e+00> : vector<512x128xf32>
    %dot_general3A_16 = tpu.matmul %get3A_12, %get3A_15, %dot_general3A {dimension_numbers = #tpu.dot_dimension_numbers<[1], [0], [0], [1], [0, 0, 1, 1], [], []>, transpose_lhs_hint = false} : vector<512x128xf32>, vector<128x128xf32>, vector<512x128xf32> -> vector<512x128xf32>
    %broadcast_in_dim3A = vector.shape_cast %rsqrt3A : vector<512xf32> to vector<512x1xf32>
    %mul3A = vector.broadcast %broadcast_in_dim3A : vector<512x1xf32> to vector<512x128xf32>
    %mul3A_17 = arith.mulf %dot_general3A_16, %mul3A : vector<512x128xf32>
    %swap3A = arith.constant 0 : index
    %swap3A_18 = arith.constant 0 : index
    %swap3A_19 = vector.load %arg4[%swap3A, %swap3A_18] : memref<512x128xf32, #tpu.memory_space<vmem>>, vector<512x128xf32>
    tpu.vector_store %arg4[%swap3A, %swap3A_18], %mul3A_17 {strides = array<i32>} : memref<512x128xf32, #tpu.memory_space<vmem>>, vector<512x128xf32>,
    %swap3A_20 = arith.constant 0 : index
    %swap3A_21 = vector.load %arg5[%swap3A_20] : memref<512xf32, #tpu.memory_space<vmem>>, vector<512xf32>
    tpu.vector_store %arg5[%swap3A_20], %rsqrt3A {strides = array<i32>} : memref<512xf32, #tpu.memory_space<vmem>>, vector<512xf32>,
    return
  }
  func.func @transform_0(%arg0: i32) -> (i32, i32) {
    %c0_i32 = arith.constant 0 : i32
    %c0_i32_0 = arith.constant 0 : i32
    return %c0_i32, %arg0 : i32, i32
  }
  func.func @transform_1(%arg0: i32) -> (i32, i32) {
    %c0_i32 = arith.constant 0 : i32
    %c0_i32_0 = arith.constant 0 : i32
    return %arg0, %c0_i32 : i32, i32
  }
  func.func @transform_2(%arg0: i32) -> (i32, i32) {
    %c0_i32 = arith.constant 0 : i32
    %c0_i32_0 = arith.constant 0 : i32
    %c0_i32_1 = arith.constant 0 : i32
    return %c0_i32, %c0_i32_0 : i32, i32
  }
  func.func @transform_3(%arg0: i32) -> (i32, i32) {
    %c0_i32 = arith.constant 0 : i32
    %c0_i32_0 = arith.constant 0 : i32
    return %arg0, %c0_i32 : i32, i32
  }
  func.func @transform_4(%arg0: i32) -> i32 {
    %c0_i32 = arith.constant 0 : i32
    return %arg0 : i32
  }
}

module attributes {stable_mosaic.version = 14 : i64} {
  func.func @_final_body(%arg0: i32, %arg1: memref<2x512x128xf32, #tpu.memory_space<vmem>>, %arg2: memref<512x128xf32, #tpu.memory_space<vmem>>, %arg3: memref<512xf32, #tpu.memory_space<vmem>>, %arg4: memref<128x128xf32, #tpu.memory_space<vmem>>, %arg5: memref<1x128xf32, #tpu.memory_space<vmem>>, %arg6: memref<512x128xf32, #tpu.memory_space<vmem>>) attributes {dimension_semantics = [#tpu.dimension_semantics<arbitrary>], iteration_bounds = array<i64: 20>, scalar_prefetch = 0 : i64, scratch_operands = 0 : i64, tpu.core_type = #tpu.core_type<tc>, window_params = [{transform_indices = @transform_0, window_bounds = array<i64: 2, 512, 128>}, {transform_indices = @transform_1, window_bounds = array<i64: 512, 128>}, {transform_indices = @transform_2, window_bounds = array<i64: 512>}, {pipeline_mode = #tpu.pipeline_mode<synchronous>, transform_indices = @transform_3, window_bounds = array<i64: 128, 128>}, {pipeline_mode = #tpu.pipeline_mode<synchronous>, transform_indices = @transform_4, window_bounds = array<i64: 1, 128>}, {transform_indices = @transform_5, window_bounds = array<i64: 512, 128>}]} {
    %get3A = arith.constant 0 : index
    %get3A_0 = vector.load %arg3[%get3A] : memref<512xf32, #tpu.memory_space<vmem>>, vector<512xf32>
    %get3A_1 = arith.constant 0 : index
    %get3A_2 = arith.constant 0 : index
    %get3A_3 = arith.constant 0 : index
    %get3A_4 = vector.load %arg1[%get3A_1, %get3A_2, %get3A_3] : memref<2x512x128xf32, #tpu.memory_space<vmem>>, vector<1x512x128xf32>
    %get3A_5 = vector.shape_cast %get3A_4 : vector<1x512x128xf32> to vector<512x128xf32>
    %get3A_6 = arith.constant 1 : index
    %get3A_7 = arith.constant 0 : index
    %get3A_8 = arith.constant 0 : index
    %get3A_9 = vector.load %arg1[%get3A_6, %get3A_7, %get3A_8] : memref<2x512x128xf32, #tpu.memory_space<vmem>>, vector<1x512x128xf32>
    %get3A_10 = vector.shape_cast %get3A_9 : vector<1x512x128xf32> to vector<512x128xf32>
    %add3A = arith.addf %get3A_5, %get3A_10 : vector<512x128xf32>
    %get3A_11 = arith.constant 0 : index
    %get3A_12 = arith.constant 0 : index
    %get3A_13 = vector.load %arg2[%get3A_11, %get3A_12] : memref<512x128xf32, #tpu.memory_space<vmem>>, vector<512x128xf32>
    %add3A_14 = arith.addf %add3A, %get3A_13 : vector<512x128xf32>
    %broadcast_in_dim3A = vector.shape_cast %get3A_0 : vector<512xf32> to vector<512x1xf32>
    %mul3A = vector.broadcast %broadcast_in_dim3A : vector<512x1xf32> to vector<512x128xf32>
    %mul3A_15 = arith.mulf %add3A_14, %mul3A : vector<512x128xf32>
    %get3A_16 = arith.constant 0 : index
    %get3A_17 = arith.constant 0 : index
    %get3A_18 = vector.load %arg4[%get3A_16, %get3A_17] : memref<128x128xf32, #tpu.memory_space<vmem>>, vector<128x128xf32>
    %dot_general3A = arith.constant dense<0.000000e+00> : vector<512x128xf32>
    %dot_general3A_19 = tpu.matmul %mul3A_15, %get3A_18, %dot_general3A {dimension_numbers = #tpu.dot_dimension_numbers<[1], [0], [0], [1], [0, 0, 1, 1], [], []>, transpose_lhs_hint = false} : vector<512x128xf32>, vector<128x128xf32>, vector<512x128xf32> -> vector<512x128xf32>
    %get3A_20 = arith.constant 0 : index
    %get3A_21 = arith.constant 0 : index
    %get3A_22 = vector.load %arg5[%get3A_20, %get3A_21] : memref<1x128xf32, #tpu.memory_space<vmem>>, vector<1x128xf32>
    %add3A_23 = vector.broadcast %get3A_22 : vector<1x128xf32> to vector<512x128xf32>
    %add3A_24 = arith.addf %dot_general3A_19, %add3A_23 : vector<512x128xf32>
    %swap3A = arith.constant 0 : index
    %swap3A_25 = arith.constant 0 : index
    %swap3A_26 = vector.load %arg6[%swap3A, %swap3A_25] : memref<512x128xf32, #tpu.memory_space<vmem>>, vector<512x128xf32>
    tpu.vector_store %arg6[%swap3A, %swap3A_25], %add3A_24 {strides = array<i32>} : memref<512x128xf32, #tpu.memory_space<vmem>>, vector<512x128xf32>,
    return
  }
  func.func @transform_0(%arg0: i32) -> (i32, i32, i32) {
    %c0_i32 = arith.constant 0 : i32
    %c0_i32_0 = arith.constant 0 : i32
    %c0_i32_1 = arith.constant 0 : i32
    return %c0_i32, %arg0, %c0_i32_0 : i32, i32, i32
  }
  func.func @transform_1(%arg0: i32) -> (i32, i32) {
    %c0_i32 = arith.constant 0 : i32
    %c0_i32_0 = arith.constant 0 : i32
    return %arg0, %c0_i32 : i32, i32
  }
  func.func @transform_2(%arg0: i32) -> i32 {
    %c0_i32 = arith.constant 0 : i32
    return %arg0 : i32
  }
  func.func @transform_3(%arg0: i32) -> (i32, i32) {
    %c0_i32 = arith.constant 0 : i32
    %c0_i32_0 = arith.constant 0 : i32
    %c0_i32_1 = arith.constant 0 : i32
    return %c0_i32, %c0_i32_0 : i32, i32
  }
  func.func @transform_4(%arg0: i32) -> (i32, i32) {
    %c0_i32 = arith.constant 0 : i32
    %c0_i32_0 = arith.constant 0 : i32
    %c0_i32_1 = arith.constant 0 : i32
    return %c0_i32, %c0_i32_0 : i32, i32
  }
  func.func @transform_5(%arg0: i32) -> (i32, i32) {
    %c0_i32 = arith.constant 0 : i32
    %c0_i32_0 = arith.constant 0 : i32
    return %arg0, %c0_i32 : i32, i32
  }
}

module attributes {stable_mosaic.version = 14 : i64} {
  func.func @_mid_body(%arg0: i32, %arg1: memref<2x512x128xf32, #tpu.memory_space<vmem>>, %arg2: memref<512x128xf32, #tpu.memory_space<vmem>>, %arg3: memref<512xf32, #tpu.memory_space<vmem>>, %arg4: memref<128x128xf32, #tpu.memory_space<vmem>>, %arg5: memref<512x128xf32, #tpu.memory_space<vmem>>) attributes {dimension_semantics = [#tpu.dimension_semantics<arbitrary>], iteration_bounds = array<i64: 20>, scalar_prefetch = 0 : i64, scratch_operands = 0 : i64, tpu.core_type = #tpu.core_type<tc>, window_params = [{transform_indices = @transform_0, window_bounds = array<i64: 2, 512, 128>}, {transform_indices = @transform_1, window_bounds = array<i64: 512, 128>}, {transform_indices = @transform_2, window_bounds = array<i64: 512>}, {pipeline_mode = #tpu.pipeline_mode<synchronous>, transform_indices = @transform_3, window_bounds = array<i64: 128, 128>}, {transform_indices = @transform_4, window_bounds = array<i64: 512, 128>}]} {
    %get3A = arith.constant 0 : index
    %get3A_0 = vector.load %arg3[%get3A] : memref<512xf32, #tpu.memory_space<vmem>>, vector<512xf32>
    %get3A_1 = arith.constant 0 : index
    %get3A_2 = arith.constant 0 : index
    %get3A_3 = arith.constant 0 : index
    %get3A_4 = vector.load %arg1[%get3A_1, %get3A_2, %get3A_3] : memref<2x512x128xf32, #tpu.memory_space<vmem>>, vector<1x512x128xf32>
    %get3A_5 = vector.shape_cast %get3A_4 : vector<1x512x128xf32> to vector<512x128xf32>
    %get3A_6 = arith.constant 1 : index
    %get3A_7 = arith.constant 0 : index
    %get3A_8 = arith.constant 0 : index
    %get3A_9 = vector.load %arg1[%get3A_6, %get3A_7, %get3A_8] : memref<2x512x128xf32, #tpu.memory_space<vmem>>, vector<1x512x128xf32>
    %get3A_10 = vector.shape_cast %get3A_9 : vector<1x512x128xf32> to vector<512x128xf32>
    %add3A = arith.addf %get3A_5, %get3A_10 : vector<512x128xf32>
    %get3A_11 = arith.constant 0 : index
    %get3A_12 = arith.constant 0 : index
    %get3A_13 = vector.load %arg2[%get3A_11, %get3A_12] : memref<512x128xf32, #tpu.memory_space<vmem>>, vector<512x128xf32>
    %add3A_14 = arith.addf %add3A, %get3A_13 : vector<512x128xf32>
    %broadcast_in_dim3A = vector.shape_cast %get3A_0 : vector<512xf32> to vector<512x1xf32>
    %mul3A = vector.broadcast %broadcast_in_dim3A : vector<512x1xf32> to vector<512x128xf32>
    %mul3A_15 = arith.mulf %add3A_14, %mul3A : vector<512x128xf32>
    %max3A = arith.constant 0.000000e+00 : f32
    %max3A_16 = vector.broadcast %max3A : f32 to vector<512x128xf32>
    %max3A_17 = arith.maximumf %mul3A_15, %max3A_16 : vector<512x128xf32>
    %get3A_18 = arith.constant 0 : index
    %get3A_19 = arith.constant 0 : index
    %get3A_20 = vector.load %arg4[%get3A_18, %get3A_19] : memref<128x128xf32, #tpu.memory_space<vmem>>, vector<128x128xf32>
    %dot_general3A = arith.constant dense<0.000000e+00> : vector<512x128xf32>
    %dot_general3A_21 = tpu.matmul %max3A_17, %get3A_20, %dot_general3A {dimension_numbers = #tpu.dot_dimension_numbers<[1], [0], [0], [1], [0, 0, 1, 1], [], []>, transpose_lhs_hint = false} : vector<512x128xf32>, vector<128x128xf32>, vector<512x128xf32> -> vector<512x128xf32>
    %broadcast_in_dim3A_22 = vector.shape_cast %get3A_0 : vector<512xf32> to vector<512x1xf32>
    %mul3A_23 = vector.broadcast %broadcast_in_dim3A_22 : vector<512x1xf32> to vector<512x128xf32>
    %mul3A_24 = arith.mulf %dot_general3A_21, %mul3A_23 : vector<512x128xf32>
    %swap3A = arith.constant 0 : index
    %swap3A_25 = arith.constant 0 : index
    %swap3A_26 = vector.load %arg5[%swap3A, %swap3A_25] : memref<512x128xf32, #tpu.memory_space<vmem>>, vector<512x128xf32>
    tpu.vector_store %arg5[%swap3A, %swap3A_25], %mul3A_24 {strides = array<i32>} : memref<512x128xf32, #tpu.memory_space<vmem>>, vector<512x128xf32>,
    return
  }
  func.func @transform_0(%arg0: i32) -> (i32, i32, i32) {
    %c0_i32 = arith.constant 0 : i32
    %c0_i32_0 = arith.constant 0 : i32
    %c0_i32_1 = arith.constant 0 : i32
    return %c0_i32, %arg0, %c0_i32_0 : i32, i32, i32
  }
  func.func @transform_1(%arg0: i32) -> (i32, i32) {
    %c0_i32 = arith.constant 0 : i32
    %c0_i32_0 = arith.constant 0 : i32
    return %arg0, %c0_i32 : i32, i32
  }
  func.func @transform_2(%arg0: i32) -> i32 {
    %c0_i32 = arith.constant 0 : i32
    return %arg0 : i32
  }
  func.func @transform_3(%arg0: i32) -> (i32, i32) {
    %c0_i32 = arith.constant 0 : i32
    %c0_i32_0 = arith.constant 0 : i32
    %c0_i32_1 = arith.constant 0 : i32
    return %c0_i32, %c0_i32_0 : i32, i32
  }
  func.func @transform_4(%arg0: i32) -> (i32, i32) {
    %c0_i32 = arith.constant 0 : i32
    %c0_i32_0 = arith.constant 0 : i32
    return %arg0, %c0_i32 : i32, i32
  }
}

</mosaic_0001>

<sc_bundles>
// kernel: kernel.11.cloned.1.call-start
scs
__scs_entry_jumppad:
0x0: {  	(pc) =	sbr.rel $0x88, $3  }
0x1: {  	(tag) =	ssettag $0x0;
	lr =	simm.s32 $0x1  }
0x2: {  	[smem:$0x3F9B] =	sst lr;
	_ =	strace $0xD0000000  }
0x3: {  	_ = 	snop  }
0x4: {  	_ = 	snop  }
0x5: {  	_ = 	snop  }
0x6: {  	_ = 	snop  }
0x7: {  	_ = 	snop  }
__scs_overlays_trampoline_lowered:
0x8: {  	[smem:$0x3FAA] =	sst s0  }
0x9: {  	[smem:$0x3FAB] =	sst s1  }
0xa: {  	[smem:$0x3FAC] =	sst s2  }
0xb: {  	[smem:$0x3FAD] =	sst s3  }
0xc: {  	[smem:$0x3FAE] =	sst s4  }
0xd: {  	[smem:$0x3FAF] =	sst s5  }
0xe: {  	[smem:$0x3FB0] =	sst s6  }
0xf: {  	[smem:$0x3FB1] =	sst s7  }
0x10: {  	[smem:$0x3FB2] =	sst s8  }
0x11: {  	[smem:$0x3FB3] =	sst s9;
	s0 =	simm.s32 @!p0 $0x0  }
0x12: {  	s1 =	sld [smem:$0x3F99];
	s0 =	simm.s32 @p0 $0x1  }
0x13: {  	[smem:$0x3FB4] =	sst s0;
	s0 =	simm.s32 @!p1 $0x0  }
0x14: {  	s2 =	sld [smem:$0x3F98];
	s0 =	simm.s32 @p1 $0x1  }
0x15: {  	[smem:$0x3FB5] =	sst s0;
	s0 =	simm.s32 @!p2 $0x0  }
0x16: {  	s3 =	sld [smem:$0x3FDB];
	s0 =	simm.s32 @p2 $0x1  }
0x17: {  	s4 =	simm.s32 $0x1BF5;
	[smem:$0x3FB7] =	sst s0  }
0x18: {  	s0 =	sld [smem:$0x3F9A];
	_ =	swait.ge [sflag:s4], $0x0  }
0x19: {  	s7 =	sld [smem:$0x3F9B]  }
0x1a: {  	s8 =	sadd.s32 $0xFFFFE003, lr  }
0x1b: {  	s9 =	sadd.s32 $0xFFFFFEF7, lr;
	s5 =	simm.s32 $0xFFFFFFFF;
	p2 =	slt.u32 s8, $0xFFFFF086  }
0x1c: {  	p1 =	slt.u32 s9, $0xF7A;
	s5 =	simm.s32 @!p2 $0x0  }
0x1d: {  	s5 =	simm.s32 @p1 $0x1;
	p0 =	seq.s32 s7, s2  }
0x1e: {  	s7 =	smul.u32 @!p0 $0xF7A, s2;
	p2 =	seq.s32 @!p0 s5, $0x0  }
0x1f: {  	s9 =	smul.u32 $0xF7A, s1;
	s8 =	simm.s32 @!p0 $0x1BF5;
	p2 =	por !p2, p0  }
0x20: {  	[sflag:s8] =	ssyncset.s32 @!p0 $0xFFFFF086;
	s6 =	sadd.s32 @!p0 s3, s7;
	s7 =	simm.s32 @!p0 $0x108  }
0x21: {  	s3 =	sadd.s32 s3, s9;
	s6 =	sadd.s32 @!p0 $0x88, s6;
	s7 =	simm.s32 @p2 $0x1082  }
0x22: {  	[simem:s7], [sflag:s8] =	dma.local @!p0 [hbm:s6], $0xF7A  }
0x23: {  	s9 =	sor.u32 $0xD0000000, s2;
	s6 =	simm.s32 $0x108;
	_ =	swait.ge @!p0 [sflag:s8], $0x0  }
0x24: {  	s3 =	sadd.s32 $0x88, s3;
	s6 =	simm.s32 @!p1 $0x1082;
	[sflag:s4] =	ssyncset.s32 $0xFFFFF086  }
0x25: {  	[simem:s6], [sflag:s4] =	dma.local [hbm:s3], $0xF7A  }
0x26: {  	[smem:$0x3F9B] =	sst s1;
	(tag) =	ssettag s2;
	_ =	strace s9  }
0x27: {  	s1 =	sld [smem:$0x3FAB]  }
0x28: {  	s2 =	sld [smem:$0x3FAC]  }
0x29: {  	s4 =	sld [smem:$0x3FAE]  }
0x2a: {  	p0 =	seq.s32 s5, $0x0;
	s5 =	sld [smem:$0x3FAF]  }
0x2b: {  	s6 =	sld [smem:$0x3FB0]  }
0x2c: {  	s7 =	sld [smem:$0x3FB1]  }
0x2d: {  	s3 =	simm.s32 $0x108;
	s8 =	sld [smem:$0x3FB2]  }
0x2e: {  	s3 =	simm.s32 @!p0 $0x1082;
	s9 =	sld [smem:$0x3FB3]  }
0x2f: {  	lr =	sadd.s32 s0, s3;
	s0 =	sld [smem:$0x3FAA]  }
0x30: {  	s3 =	sld [smem:$0x3FAD]  }
0x31: {  	[smem:$0x3FB6] =	sst s10  }
0x32: {  	s10 =	sld [smem:$0x3FB4];
	_ =	sdelay $0x3  }
0x33: {  	p0 =	seq.s32 s10, $0x1;
	s10 =	sld [smem:$0x3FB6];
	_ =	sdelay $0x3  }
0x34: {  	[smem:$0x3FB6] =	sst s10  }
0x35: {  	s10 =	sld [smem:$0x3FB5];
	_ =	sdelay $0x3  }
0x36: {  	p1 =	seq.s32 s10, $0x1;
	s10 =	sld [smem:$0x3FB6];
	_ =	sdelay $0x3  }
0x37: {  	[smem:$0x3FB6] =	sst s10  }
0x38: {  	s10 =	sld [smem:$0x3FB7]  }
0x39: {  	_ = 	snop;
	(pc) =	sbr.ind lr, $3  }
0x3a: {  	_ = 	snop  }
0x3b: {  	_ = 	snop  }
0x3c: {  	p2 =	seq.s32 s10, $0x1;
	s10 =	sld [smem:$0x3FB6]  }
0x3d: {  	_ =	shalt  }
0x3e: {  	_ =	shalt  }
0x3f: {  	_ =	shalt  }
0x40: {  	_ =	shalt  }
0x41: {  	_ =	shalt  }
0x42: {  	_ =	shalt  }
0x43: {  	_ =	shalt  }
0x44: {  	_ =	shalt  }
0x45: {  	_ =	shalt  }
0x46: {  	_ =	shalt  }
0x47: {  	_ =	shalt  }
0x48: {  	_ =	shalt  }
0x49: {  	_ =	shalt  }
0x4a: {  	_ =	shalt  }
0x4b: {  	_ =	shalt  }
0x4c: {  	_ =	shalt  }
0x4d: {  	_ =	shalt  }
0x4e: {  	_ =	shalt  }
0x4f: {  	_ =	shalt  }
0x50: {  	_ =	shalt  }
0x51: {  	_ =	shalt  }
0x52: {  	_ =	shalt  }
0x53: {  	_ =	shalt  }
0x54: {  	_ =	shalt  }
0x55: {  	_ =	shalt  }
0x56: {  	_ =	shalt  }
0x57: {  	_ =	shalt  }
0x58: {  	_ =	shalt  }
0x59: {  	_ =	shalt  }
0x5a: {  	_ =	shalt  }
0x5b: {  	_ =	shalt  }
0x5c: {  	_ =	shalt  }
0x5d: {  	_ =	shalt  }
0x5e: {  	_ =	shalt  }
0x5f: {  	_ =	shalt  }
0x60: {  	_ =	shalt  }
0x61: {  	_ =	shalt  }
0x62: {  	_ =	shalt  }
0x63: {  	_ =	shalt  }
0x64: {  	_ =	shalt  }
0x65: {  	_ =	shalt  }
0x66: {  	_ =	shalt  }
0x67: {  	_ =	shalt  }
0x68: {  	_ =	shalt  }
0x69: {  	_ =	shalt  }
0x6a: {  	_ =	shalt  }
0x6b: {  	_ =	shalt  }
0x6c: {  	_ =	shalt  }
0x6d: {  	_ =	shalt  }
0x6e: {  	_ =	shalt  }
0x6f: {  	_ =	shalt  }
0x70: {  	_ =	shalt  }
0x71: {  	_ =	shalt  }
0x72: {  	_ =	shalt  }
0x73: {  	_ =	shalt  }
0x74: {  	_ =	shalt  }
0x75: {  	_ =	shalt  }
0x76: {  	_ =	shalt  }
0x77: {  	_ =	shalt  }
0x78: {  	_ =	shalt  }
0x79: {  	_ =	shalt  }
0x7a: {  	_ =	shalt  }
0x7b: {  	_ =	shalt  }
0x7c: {  	_ =	shalt  }
0x7d: {  	_ =	shalt  }
0x7e: {  	_ =	shalt  }
0x7f: {  	_ =	shalt  }
0x80: {  	_ =	shalt  }
0x81: {  	_ =	shalt  }
0x82: {  	_ =	shalt  }
0x83: {  	_ =	shalt  }
0x84: {  	_ =	shalt  }
0x85: {  	_ =	shalt  }
0x86: {  	_ =	shalt  }
0x87: {  	_ =	shalt  }
.Lfunc_end0:
.L_simem_size_0:
called_computation.1_lowered:
.L_overlay_start_0:
0x88: {  	s2 =	sld [smem:$0x3FD9]  }
0x89: {  	s3 =	sld [smem:$0x3FFE];
	_ =	sdelay $0x1  }
0x8a: {  	s1 =	srdreg.scid  }
0x8b: {  	s0 =	sand.u32 $0x1, s1  }
0x8c: {  	s17 =	sshll.u32 s0, $0xA;
	s2 =	sadd.s32 s3, s2  }
0x8d: {  	s2 =	sadd.s32 s2, s17  }
0x8e: {  	[smem:$0x3FC2] =	sst s2  }
0x8f: {  	_ = 	snop  }
0x90: {  	s2 =	sld [smem:$0x3FD0];
	(tm) =	ssettm $0x1  }
0x91: {  	s18 =	sld [smem:$0x3FFB];
	_ =	sdelay $0x3  }
0x92: {  	_ =	strace s18  }
0x93: {  	s3 =	sld [smem:$0x3FFC];
	_ =	sdelay $0x3  }
0x94: {  	_ =	strace s3  }
0x95: {  	s3 =	sld [smem:$0x3FFD];
	_ =	sdelay $0x3  }
0x96: {  	_ =	strace s3  }
0x97: {  	_ =	strace $0x8FFFFFFF  }
0x98: {  	s19 =	sld [smem:$0x3FDB];
	_ =	sdelay $0x1  }
0x99: {  	s4 =	simm.s32 $_scs_section_size  }
0x9a: {  	s5 =	simm.s32 $_size__tile_overlayer_lowered;
	s6 =	simm.s32 $_tile_overlayer_lowered  }
0x9b: {  	s22 =	simm.s32 $0x1BFF;
	s21 =	sshll.u32 s6, $0x1;
	s3 =	sadd.s32 s4, s19  }
0x9c: {  	s7 =	simm.s32 $0x0;
	s20 =	sshll.u32 s5, $0x1;
	s5 =	sadd.s32 s21, s3  }
0x9d: {  	[timem:s7], [sflag:s22] =	dma.local [hbm:s5], s20  }
0x9e: {  	_ =	swait.ge [sflag:s22], s20  }
0x9f: {  	s4 =	ssub.s32 $0x0, s20;
	[sflag:s22] =	ssyncset.done $0x0  }
0xa0: {  	[sflag:s22] =	ssyncadd.s32 s4;
	_ =	sdelay $0x1  }
0xa1: {  	s23 =	simm.s32 $0x1B8B  }
0xa2: {  	_ =	swait.ge [sflag:s23], $0x1  }
0xa3: {  	[sflag:s23] =	ssyncset.done $0x0  }
0xa4: {  	s25 =	simm.s32 $0x1B8E;
	s24 =	sld [smem:$0x3FFE];
	[sflag:s23] =	ssyncadd.s32 $0xFFFFFFFF  }
0xa5: {  	s26 =	simm.s32 $execute0_lowered;
	[smem:$0x3FD2] =	sst s25  }
0xa6: {  	s5 =	sshll.u32 s26, $0x1;
	_ =	strace $0x80000049;
	[dreg:$0x1] =	wrdreg $0xFFFFFFFF  }
0xa7: {  	s28 =	simm.s32 $_size_execute0_lowered;
	s3 =	sadd.s32 s3, s5;
	[dreg:$0x0] =	wrdreg $0x0  }
0xa8: {  	s5 =	sshll.u32 s28, $0x1;
	[dreg:$0x2] =	wrdreg s3  }
0xa9: {  	[dreg:$0x3] =	wrdreg s5  }
0xaa: {  	[dreg:$0x4] =	wrdreg $0xC0  }
0xab: {  	_ =	task [dreg:s7], $0x5FFFF  }
0xac: {  	[dreg:$0x1] =	wrdreg $0xFFFFFFFF  }
0xad: {  	[dreg:$0x0] =	wrdreg $0x60  }
0xae: {  	[dreg:$0x2] =	wrdreg s24  }
0xaf: {  	[dreg:$0x3] =	wrdreg s2  }
0xb0: {  	[dreg:$0x4] =	wrdreg $0x90000  }
0xb1: {  	[dreg:$0x5] =	wrdreg $0x9  }
0xb2: {  	_ =	task.clear_ibuf [dreg:s7], $0x6FFFF;
	_ =	strace $0x90000049  }
0xb3: {  	s29 =	simm.s32 $0x9;
	_ =	strace $0x8000004B  }
0xb4: {  	_ =	swait.ge [sflag:s29], $0x1  }
0xb5: {  	[sflag:s29] =	ssyncadd.s32 $0xFFFFFFFF  }
0xb6: {  	_ =	strace $0x9000004B  }
0xb7: {  	_ =	sfence  }
0xb8: {  	s30 =	sld [smem:$0x0];
	_ =	sdelay $0x2  }
0xb9: {  	s31 =	sshll.u32 s1, $0xD;
	s1 =	sshrl.u32 s1, $0x2  }
0xba: {  	s3 =	sand.u32 $0x4000, s31;
	s1 =	sadd.s32 s1, s30  }
0xbb: {  	s0 =	sor.u32 s3, s0;
	s1 =	sshll.u32 s1, $0x11  }
0xbc: {  	s0 =	sor.u32 s1, s0  }
0xbd: {  	s0 =	sadd.s32 $0x8F2B, s0  }
0xbe: {  	[sflag:s0] =	ssyncadd.remote.s32 $0x1  }
0xbf: {  	_ =	sfence.sel $0xFFFF  }
0xc0: {  	[dreg:$0x0] =	wrdreg $0xFFFFFFFF;
	(pc) =	sbr.abs _section_cstart, $3  }
0xc1: {  	[dreg:$0x1] =	wrdreg $0xFFFFFFFF  }
0xc2: {  	_ =	task.clear_ibuf [dreg:s7], $0x2FFFF;
	_ =	strace $0x9FFFFFFF  }
0xc3: {  	(tm) =	ssettm $0x7FFFFFFF  }
tec
execute0_lowered:
.L_overlay_start_1:
0x0: {  	(tag) =	ssettag $0x1  }
0x1: {  	s1 =	srdreg.scid;
	s6 =	rddreg [dreg:$0x0]  }
0x2: {  	s0 =	stileid.u32;
	s8 =	rddreg [dreg:$0x1]  }
0x3: {  	s2 =	rddreg [dreg:$0x2];
	s3 =	simm.s32 $0x0;
	s14 =	simm.s32 $0x80  }
0x4: {  	s15 =	simm.s32 $0x5000;
	s16 =	simm.s32 $0x1;
	s17 =	simm.s32 $0x0  }
0x5: {  	s7 =	sand.u32 $0x1, s1;
	s29 =	sshll.u32 s0, $0x1;
	s10 =	smul.u32 $0x14000, s0  }
0x6: {  	[smem:$0x7FF] =	sst s3;
	s4 =	sadd.s32 $0xCC00, s6;
	s12 =	smul.u32 $0x50000, s0  }
0x7: {  	s31 =	sshll.u32 s0, $0x6;
	s1 =	sor.u32 s7, s29;
	s5 =	smul.u32 $0x140000, s7  }
0x8: {  	s7 =	ssub.s32 $0x2, s7;
	s9 =	smul.u32 $0x500, s1;
	s1 =	rddreg [dreg:$0x3]  }
0x9: {  	_ =	strace $0x8000004A;
	s30 =	sshrl.u32 s7, $0x1;
	s12 =	sshrl.u32 s12, $0x2  }
0xa: {  	s10 =	sadd.s32 s10, s5;
	s5 =	sadd.s32 $0x34C00, s6;
	s13 =	ssub.s32 s7, s30  }
0xb: {  	s12 =	sadd.s32 s12, s2;
	s11 =	sadd.s32 s9, s6;
	s10 =	sshrl.u32 s10, $0x3  }
0xc: {  	s7 =	sadd.s32 s8, s9;
	s10 =	sadd.s32 s10, s6;
	s6 =	sor.u32 $0x1C02, s31  }
0xd: {  	s8 =	sadd.s32 $0x2C00, s11;
	s11 =	sshrl.u32 s12, $0x3;
	s12 =	simm.s32 $0x2  }
0xe: {  	s9 =	sadd.s32 $0x37400, s10;
	s10 =	smax.u32 s13, $0x1;
	s13 =	simm.s32 $0x2800  }
.LBB2_1:
0xf: {  	[spmem:s11], [sflag:s6] =	dma.local [hbm:s5], $0x2800  }
0x10: {  	_ =	swait.ge [sflag:s12], $0x2800  }
0x11: {  	[sflag:s12] =	ssyncset.done $0x0  }
0x12: {  	[sflag:s12] =	ssyncadd.s32 $0xFFFFD800  }
0x13: {  	[tilespmem:s3], [sflag:$0x2] =	stream.linear.gather [hbm4b:s7+s3], $0x2800, $0x38;
	[tilespmem:$0x1D000] =	vst v63  }
0x14: {  	_ =	swait.ge [sflag:s12], $0x2800  }
0x15: {  	[sflag:s12] =	ssyncset.done $0x0  }
0x16: {  	[sflag:s12] =	ssyncadd.s32 $0xFFFFD800  }
0x17: {  	[tilespmem:s13], [sflag:$0x2] =	stream.linear.gather [hbm4b:s8+s3], $0x2800, $0x38;
	[tilespmem:$0x1D000] =	vst v63  }
0x18: {  	_ =	swait.ge [sflag:s12], $0x2800  }
0x19: {  	[sflag:s12] =	ssyncset.done $0x0  }
0x1a: {  	[sflag:s12] =	ssyncadd.s32 $0xFFFFD800  }
0x1b: {  	s18 =	simm.s32 $0x0;
	[bflag:$0x0] =	sbarrier.arrive $0xFFFF  }
0x1c: {  	[tilespmem:s15], [sflag:$0x1] =	stream.indirect.gather [hbm4b:s4+s14], $0x80, s18, s14, $0xb8;
	[tilespmem:$0x1D000] =	vst v63  }
0x1d: {  	_ =	swait.ge [sflag:s16], $0x4000  }
0x1e: {  	[sflag:s16] =	ssyncset.done $0x0  }
0x1f: {  	s31 =	simm.s32 $0x2800;
	[sflag:s16] =	ssyncadd.s32 $0xFFFFC000  }
0x20: {  	[spmem:s2] =	stream.indirect.scatter.add.f32 [tilespmem:s15], [sflag:$0x2], $0x80, s31, s14, $0xb8;
	[tilespmem:$0x1D000] =	vst v63  }
0x21: {  	_ =	swait.ge [sflag:s12], $0x4000  }
0x22: {  	s19 =	simm.s32 $0x400;
	s18 =	simm.s32 $0x200;
	[sflag:s12] =	ssyncset.done $0x0  }
.LBB2_2:
0x23: {  	s20 =	sshra.s32 s18, $0x2  }
0x24: {  	[sflag:s12] =	ssyncadd.s32 $0xFFFFC000;
	s18 =	smov.u32 s19;
	s21 =	sadd.s32 $0x200, s19  }
0x25: {  	[tilespmem:s15], [sflag:$0x1] =	stream.indirect.gather [hbm4b:s4+s14], $0x80, s20, s14, $0xb8;
	[tilespmem:$0x1D000] =	vst v63  }
0x26: {  	p0 =	sne.s32 s19, $0x9E00;
	_ =	swait.ge [sflag:s16], $0x4000  }
.Ltmp0:
0x27: {  	[sflag:s16] =	ssyncset.done $0x0;
	(pc) =	sbr.rel @p0 .LBB2_2-.Ltmp0, $4  }
0x28: {  	s19 =	sadd.s32 $0x2800, s20;
	[sflag:s16] =	ssyncadd.s32 $0xFFFFC000  }
0x29: {  	[spmem:s2] =	stream.indirect.scatter.add.f32 [tilespmem:s15], [sflag:$0x2], $0x80, s19, s14, $0xb8;
	[tilespmem:$0x1D000] =	vst v63  }
0x2a: {  	_ =	swait.ge [sflag:s12], $0x4000  }
0x2b: {  	s19 =	smov.u32 s21;
	[sflag:s12] =	ssyncset.done $0x0  }
0x2c: {  	s18 =	sshra.s32 s18, $0x2;
	[sflag:s12] =	ssyncadd.s32 $0xFFFFC000  }
0x2d: {  	[tilespmem:s15], [sflag:$0x1] =	stream.indirect.gather [hbm4b:s4+s14], $0x80, s18, s14, $0xb8;
	[tilespmem:$0x1D000] =	vst v63  }
0x2e: {  	_ =	swait.ge [sflag:s16], $0x4000  }
0x2f: {  	[sflag:s16] =	ssyncset.done $0x0  }
0x30: {  	s18 =	sadd.s32 $0x2800, s18;
	[sflag:s16] =	ssyncadd.s32 $0xFFFFC000  }
0x31: {  	[spmem:s2] =	stream.indirect.scatter.add.f32 [tilespmem:s15], [sflag:$0x2], $0x80, s18, s14, $0xb8;
	[tilespmem:$0x1D000] =	vst v63  }
0x32: {  	_ =	swait.ge [sflag:s12], $0x4000  }
0x33: {  	s17 =	sadd.s32 $0x1, s17;
	[sflag:s12] =	ssyncset.done $0x0  }
0x34: {  	p0 =	sne.s32 s17, s10;
	[sflag:s12] =	ssyncadd.s32 $0xFFFFC000  }
.Ltmp1:
0x35: {  	[bflag:$0x0] =	sbarrier.arrive $0xFFFF;
	(pc) =	sbr.rel @p0 .LBB2_1-.Ltmp1, $4  }
0x36: {  	[hbm:s9], [sflag:s6] =	dma.local [spmem:s11], $0x2800  }
0x37: {  	_ =	swait.ge [sflag:s12], $0x2800  }
0x38: {  	[sflag:s12] =	ssyncset.done $0x0  }
0x39: {  	[sflag:s12] =	ssyncadd.s32 $0xFFFFD800  }
0x3a: {  	_ =	sfence.sel $0x180000  }
0x3b: {  	[bflag:$0x0] =	sbarrier.arrive $0xFFFF  }
0x3c: {  	p0 =	sne.s32 s0, $0x0;
	_ =	strace $0x9000004A  }
0x3d: {  	s0 =	sadd.s32 @!p0 $0x100000, s1;
	[bflag:$0x2] =	sbarrier.arrive $0xFFFF  }
0x3e: {  	[sflag:s0] =	ssyncadd.tile.s32 @!p0 $0x1;
	_ =	shalt  }
.Lfunc_end2:
_tile_overlayer_lowered:
.L_overlay_start_2:
0x3f: {  	(tag) =	ssettag $0x2  }
0x40: {  	s0 =	rddreg [dreg:$0x0];
	s2 =	stileid.u32  }
0x41: {  	s1 =	rddreg [dreg:$0x1];
	p0 =	sne.s32 s2, $0x0  }
0x42: {  	s3 =	rddreg [dreg:$0x2];
	[bflag:$0x3] =	sbarrier.arrive $0xFFFF;
	s2 =	simm.s32 @!p0 $0x1C02  }
0x43: {  	[timem:s3], [sflag:s2] =	dma.local @!p0 [hbm:s0], s1  }
0x44: {  	s0 =	simm.s32 @!p0 $0x2  }
0x45: {  	_ =	swait.ge @!p0 [sflag:s0], s1  }
0x46: {  	s1 =	ssub.s32 @!p0 $0x0, s1;
	[sflag:s0] =	ssyncset.done @!p0 $0x0  }
0x47: {  	[sflag:s0] =	ssyncadd.s32 @!p0 s1  }
0x48: {  	[bflag:$0x3] =	sbarrier.arrive $0xFFFF  }
0x49: {  	_ =	shalt  }

// kernel: kernel.14.cloned.1.call-start
scs
__scs_entry_jumppad:
0x0: {  	(pc) =	sbr.rel $0x88, $3  }
0x1: {  	(tag) =	ssettag $0x0;
	lr =	simm.s32 $0x1  }
0x2: {  	[smem:$0x3F9B] =	sst lr;
	_ =	strace $0xD0000000  }
0x3: {  	_ = 	snop  }
0x4: {  	_ = 	snop  }
0x5: {  	_ = 	snop  }
0x6: {  	_ = 	snop  }
0x7: {  	_ = 	snop  }
__scs_overlays_trampoline_lowered:
0x8: {  	[smem:$0x3FAA] =	sst s0  }
0x9: {  	[smem:$0x3FAB] =	sst s1  }
0xa: {  	[smem:$0x3FAC] =	sst s2  }
0xb: {  	[smem:$0x3FAD] =	sst s3  }
0xc: {  	[smem:$0x3FAE] =	sst s4  }
0xd: {  	[smem:$0x3FAF] =	sst s5  }
0xe: {  	[smem:$0x3FB0] =	sst s6  }
0xf: {  	[smem:$0x3FB1] =	sst s7  }
0x10: {  	[smem:$0x3FB2] =	sst s8  }
0x11: {  	[smem:$0x3FB3] =	sst s9;
	s0 =	simm.s32 @!p0 $0x0  }
0x12: {  	s1 =	sld [smem:$0x3F99];
	s0 =	simm.s32 @p0 $0x1  }
0x13: {  	[smem:$0x3FB4] =	sst s0;
	s0 =	simm.s32 @!p1 $0x0  }
0x14: {  	s2 =	sld [smem:$0x3F98];
	s0 =	simm.s32 @p1 $0x1  }
0x15: {  	[smem:$0x3FB5] =	sst s0;
	s0 =	simm.s32 @!p2 $0x0  }
0x16: {  	s3 =	sld [smem:$0x3FDB];
	s0 =	simm.s32 @p2 $0x1  }
0x17: {  	s4 =	simm.s32 $0x1BF5;
	[smem:$0x3FB7] =	sst s0  }
0x18: {  	s0 =	sld [smem:$0x3F9A];
	_ =	swait.ge [sflag:s4], $0x0  }
0x19: {  	s7 =	sld [smem:$0x3F9B]  }
0x1a: {  	s8 =	sadd.s32 $0xFFFFE003, lr  }
0x1b: {  	s9 =	sadd.s32 $0xFFFFFEF7, lr;
	s5 =	simm.s32 $0xFFFFFFFF;
	p2 =	slt.u32 s8, $0xFFFFF086  }
0x1c: {  	p1 =	slt.u32 s9, $0xF7A;
	s5 =	simm.s32 @!p2 $0x0  }
0x1d: {  	s5 =	simm.s32 @p1 $0x1;
	p0 =	seq.s32 s7, s2  }
0x1e: {  	s7 =	smul.u32 @!p0 $0xF7A, s2;
	p2 =	seq.s32 @!p0 s5, $0x0  }
0x1f: {  	s9 =	smul.u32 $0xF7A, s1;
	s8 =	simm.s32 @!p0 $0x1BF5;
	p2 =	por !p2, p0  }
0x20: {  	[sflag:s8] =	ssyncset.s32 @!p0 $0xFFFFF086;
	s6 =	sadd.s32 @!p0 s3, s7;
	s7 =	simm.s32 @!p0 $0x108  }
0x21: {  	s3 =	sadd.s32 s3, s9;
	s6 =	sadd.s32 @!p0 $0x88, s6;
	s7 =	simm.s32 @p2 $0x1082  }
0x22: {  	[simem:s7], [sflag:s8] =	dma.local @!p0 [hbm:s6], $0xF7A  }
0x23: {  	s9 =	sor.u32 $0xD0000000, s2;
	s6 =	simm.s32 $0x108;
	_ =	swait.ge @!p0 [sflag:s8], $0x0  }
0x24: {  	s3 =	sadd.s32 $0x88, s3;
	s6 =	simm.s32 @!p1 $0x1082;
	[sflag:s4] =	ssyncset.s32 $0xFFFFF086  }
0x25: {  	[simem:s6], [sflag:s4] =	dma.local [hbm:s3], $0xF7A  }
0x26: {  	[smem:$0x3F9B] =	sst s1;
	(tag) =	ssettag s2;
	_ =	strace s9  }
0x27: {  	s1 =	sld [smem:$0x3FAB]  }
0x28: {  	s2 =	sld [smem:$0x3FAC]  }
0x29: {  	s4 =	sld [smem:$0x3FAE]  }
0x2a: {  	p0 =	seq.s32 s5, $0x0;
	s5 =	sld [smem:$0x3FAF]  }
0x2b: {  	s6 =	sld [smem:$0x3FB0]  }
0x2c: {  	s7 =	sld [smem:$0x3FB1]  }
0x2d: {  	s3 =	simm.s32 $0x108;
	s8 =	sld [smem:$0x3FB2]  }
0x2e: {  	s3 =	simm.s32 @!p0 $0x1082;
	s9 =	sld [smem:$0x3FB3]  }
0x2f: {  	lr =	sadd.s32 s0, s3;
	s0 =	sld [smem:$0x3FAA]  }
0x30: {  	s3 =	sld [smem:$0x3FAD]  }
0x31: {  	[smem:$0x3FB6] =	sst s10  }
0x32: {  	s10 =	sld [smem:$0x3FB4];
	_ =	sdelay $0x3  }
0x33: {  	p0 =	seq.s32 s10, $0x1;
	s10 =	sld [smem:$0x3FB6];
	_ =	sdelay $0x3  }
0x34: {  	[smem:$0x3FB6] =	sst s10  }
0x35: {  	s10 =	sld [smem:$0x3FB5];
	_ =	sdelay $0x3  }
0x36: {  	p1 =	seq.s32 s10, $0x1;
	s10 =	sld [smem:$0x3FB6];
	_ =	sdelay $0x3  }
0x37: {  	[smem:$0x3FB6] =	sst s10  }
0x38: {  	s10 =	sld [smem:$0x3FB7]  }
0x39: {  	_ = 	snop;
	(pc) =	sbr.ind lr, $3  }
0x3a: {  	_ = 	snop  }
0x3b: {  	_ = 	snop  }
0x3c: {  	p2 =	seq.s32 s10, $0x1;
	s10 =	sld [smem:$0x3FB6]  }
0x3d: {  	_ =	shalt  }
0x3e: {  	_ =	shalt  }
0x3f: {  	_ =	shalt  }
0x40: {  	_ =	shalt  }
0x41: {  	_ =	shalt  }
0x42: {  	_ =	shalt  }
0x43: {  	_ =	shalt  }
0x44: {  	_ =	shalt  }
0x45: {  	_ =	shalt  }
0x46: {  	_ =	shalt  }
0x47: {  	_ =	shalt  }
0x48: {  	_ =	shalt  }
0x49: {  	_ =	shalt  }
0x4a: {  	_ =	shalt  }
0x4b: {  	_ =	shalt  }
0x4c: {  	_ =	shalt  }
0x4d: {  	_ =	shalt  }
0x4e: {  	_ =	shalt  }
0x4f: {  	_ =	shalt  }
0x50: {  	_ =	shalt  }
0x51: {  	_ =	shalt  }
0x52: {  	_ =	shalt  }
0x53: {  	_ =	shalt  }
0x54: {  	_ =	shalt  }
0x55: {  	_ =	shalt  }
0x56: {  	_ =	shalt  }
0x57: {  	_ =	shalt  }
0x58: {  	_ =	shalt  }
0x59: {  	_ =	shalt  }
0x5a: {  	_ =	shalt  }
0x5b: {  	_ =	shalt  }
0x5c: {  	_ =	shalt  }
0x5d: {  	_ =	shalt  }
0x5e: {  	_ =	shalt  }
0x5f: {  	_ =	shalt  }
0x60: {  	_ =	shalt  }
0x61: {  	_ =	shalt  }
0x62: {  	_ =	shalt  }
0x63: {  	_ =	shalt  }
0x64: {  	_ =	shalt  }
0x65: {  	_ =	shalt  }
0x66: {  	_ =	shalt  }
0x67: {  	_ =	shalt  }
0x68: {  	_ =	shalt  }
0x69: {  	_ =	shalt  }
0x6a: {  	_ =	shalt  }
0x6b: {  	_ =	shalt  }
0x6c: {  	_ =	shalt  }
0x6d: {  	_ =	shalt  }
0x6e: {  	_ =	shalt  }
0x6f: {  	_ =	shalt  }
0x70: {  	_ =	shalt  }
0x71: {  	_ =	shalt  }
0x72: {  	_ =	shalt  }
0x73: {  	_ =	shalt  }
0x74: {  	_ =	shalt  }
0x75: {  	_ =	shalt  }
0x76: {  	_ =	shalt  }
0x77: {  	_ =	shalt  }
0x78: {  	_ =	shalt  }
0x79: {  	_ =	shalt  }
0x7a: {  	_ =	shalt  }
0x7b: {  	_ =	shalt  }
0x7c: {  	_ =	shalt  }
0x7d: {  	_ =	shalt  }
0x7e: {  	_ =	shalt  }
0x7f: {  	_ =	shalt  }
0x80: {  	_ =	shalt  }
0x81: {  	_ =	shalt  }
0x82: {  	_ =	shalt  }
0x83: {  	_ =	shalt  }
0x84: {  	_ =	shalt  }
0x85: {  	_ =	shalt  }
0x86: {  	_ =	shalt  }
0x87: {  	_ =	shalt  }
.Lfunc_end0:
.L_simem_size_0:
called_computation.2_lowered:
.L_overlay_start_0:
0x88: {  	s2 =	sld [smem:$0x3FD9]  }
0x89: {  	s3 =	sld [smem:$0x3FFE];
	_ =	sdelay $0x1  }
0x8a: {  	s1 =	srdreg.scid  }
0x8b: {  	s0 =	sand.u32 $0x1, s1  }
0x8c: {  	s17 =	sshll.u32 s0, $0xA;
	s2 =	sadd.s32 s3, s2  }
0x8d: {  	s2 =	sadd.s32 s2, s17  }
0x8e: {  	[smem:$0x3FC2] =	sst s2  }
0x8f: {  	_ = 	snop  }
0x90: {  	s2 =	sld [smem:$0x3FD0];
	(tm) =	ssettm $0x1  }
0x91: {  	s18 =	sld [smem:$0x3FFB];
	_ =	sdelay $0x3  }
0x92: {  	_ =	strace s18  }
0x93: {  	s3 =	sld [smem:$0x3FFC];
	_ =	sdelay $0x3  }
0x94: {  	_ =	strace s3  }
0x95: {  	s3 =	sld [smem:$0x3FFD];
	_ =	sdelay $0x3  }
0x96: {  	_ =	strace s3  }
0x97: {  	_ =	strace $0x8FFFFFFF  }
0x98: {  	s19 =	sld [smem:$0x3FDB];
	_ =	sdelay $0x1  }
0x99: {  	s4 =	simm.s32 $_scs_section_size  }
0x9a: {  	s5 =	simm.s32 $_size__tile_overlayer_lowered;
	s6 =	simm.s32 $_tile_overlayer_lowered  }
0x9b: {  	s22 =	simm.s32 $0x1BFF;
	s21 =	sshll.u32 s6, $0x1;
	s3 =	sadd.s32 s4, s19  }
0x9c: {  	s7 =	simm.s32 $0x0;
	s20 =	sshll.u32 s5, $0x1;
	s5 =	sadd.s32 s21, s3  }
0x9d: {  	[timem:s7], [sflag:s22] =	dma.local [hbm:s5], s20  }
0x9e: {  	_ =	swait.ge [sflag:s22], s20  }
0x9f: {  	s4 =	ssub.s32 $0x0, s20;
	[sflag:s22] =	ssyncset.done $0x0  }
0xa0: {  	[sflag:s22] =	ssyncadd.s32 s4;
	_ =	sdelay $0x1  }
0xa1: {  	s23 =	simm.s32 $0x1B8B  }
0xa2: {  	_ =	swait.ge [sflag:s23], $0x1  }
0xa3: {  	[sflag:s23] =	ssyncset.done $0x0  }
0xa4: {  	s25 =	simm.s32 $0x1B8E;
	s24 =	sld [smem:$0x3FFE];
	[sflag:s23] =	ssyncadd.s32 $0xFFFFFFFF  }
0xa5: {  	s26 =	simm.s32 $execute0_lowered;
	[smem:$0x3FD2] =	sst s25  }
0xa6: {  	s5 =	sshll.u32 s26, $0x1;
	_ =	strace $0x8000004C;
	[dreg:$0x1] =	wrdreg $0xFFFFFFFF  }
0xa7: {  	s28 =	simm.s32 $_size_execute0_lowered;
	s3 =	sadd.s32 s3, s5;
	[dreg:$0x0] =	wrdreg $0x0  }
0xa8: {  	s5 =	sshll.u32 s28, $0x1;
	[dreg:$0x2] =	wrdreg s3  }
0xa9: {  	[dreg:$0x3] =	wrdreg s5  }
0xaa: {  	[dreg:$0x4] =	wrdreg $0xC0  }
0xab: {  	_ =	task [dreg:s7], $0x5FFFF  }
0xac: {  	[dreg:$0x1] =	wrdreg $0xFFFFFFFF  }
0xad: {  	[dreg:$0x0] =	wrdreg $0x60  }
0xae: {  	[dreg:$0x2] =	wrdreg s24  }
0xaf: {  	[dreg:$0x3] =	wrdreg s2  }
0xb0: {  	[dreg:$0x4] =	wrdreg $0x90000  }
0xb1: {  	[dreg:$0x5] =	wrdreg $0x9  }
0xb2: {  	_ =	task.clear_ibuf [dreg:s7], $0x6FFFF;
	_ =	strace $0x9000004C  }
0xb3: {  	s29 =	simm.s32 $0x9;
	_ =	strace $0x8000004E  }
0xb4: {  	_ =	swait.ge [sflag:s29], $0x1  }
0xb5: {  	[sflag:s29] =	ssyncadd.s32 $0xFFFFFFFF  }
0xb6: {  	_ =	strace $0x9000004E  }
0xb7: {  	_ =	sfence  }
0xb8: {  	s30 =	sld [smem:$0x0];
	_ =	sdelay $0x2  }
0xb9: {  	s31 =	sshll.u32 s1, $0xD;
	s1 =	sshrl.u32 s1, $0x2  }
0xba: {  	s3 =	sand.u32 $0x4000, s31;
	s1 =	sadd.s32 s1, s30  }
0xbb: {  	s0 =	sor.u32 s3, s0;
	s1 =	sshll.u32 s1, $0x11  }
0xbc: {  	s0 =	sor.u32 s1, s0  }
0xbd: {  	s0 =	sadd.s32 $0x8F2B, s0  }
0xbe: {  	[sflag:s0] =	ssyncadd.remote.s32 $0x1  }
0xbf: {  	_ =	sfence.sel $0xFFFF  }
0xc0: {  	[dreg:$0x0] =	wrdreg $0xFFFFFFFF;
	(pc) =	sbr.abs _section_cstart, $3  }
0xc1: {  	[dreg:$0x1] =	wrdreg $0xFFFFFFFF  }
0xc2: {  	_ =	task.clear_ibuf [dreg:s7], $0x2FFFF;
	_ =	strace $0x9FFFFFFF  }
0xc3: {  	(tm) =	ssettm $0x7FFFFFFF  }
tec
execute0_lowered:
.L_overlay_start_1:
0x0: {  	(tag) =	ssettag $0x1  }
0x1: {  	s1 =	srdreg.scid;
	s6 =	rddreg [dreg:$0x0]  }
0x2: {  	s0 =	stileid.u32;
	s8 =	rddreg [dreg:$0x1]  }
0x3: {  	s2 =	rddreg [dreg:$0x2];
	s3 =	simm.s32 $0x0;
	s14 =	simm.s32 $0x80  }
0x4: {  	s15 =	simm.s32 $0x5000;
	s16 =	simm.s32 $0x1;
	s17 =	simm.s32 $0x0  }
0x5: {  	s7 =	sand.u32 $0x1, s1;
	s29 =	sshll.u32 s0, $0x1;
	s10 =	smul.u32 $0x14000, s0  }
0x6: {  	[smem:$0x7FF] =	sst s3;
	s4 =	sadd.s32 $0xCC00, s6;
	s12 =	smul.u32 $0x50000, s0  }
0x7: {  	s31 =	sshll.u32 s0, $0x6;
	s1 =	sor.u32 s7, s29;
	s5 =	smul.u32 $0x140000, s7  }
0x8: {  	s7 =	ssub.s32 $0x2, s7;
	s9 =	smul.u32 $0x500, s1;
	s1 =	rddreg [dreg:$0x3]  }
0x9: {  	_ =	strace $0x8000004D;
	s30 =	sshrl.u32 s7, $0x1;
	s12 =	sshrl.u32 s12, $0x2  }
0xa: {  	s10 =	sadd.s32 s10, s5;
	s5 =	sadd.s32 $0x34C00, s6;
	s13 =	ssub.s32 s7, s30  }
0xb: {  	s12 =	sadd.s32 s12, s2;
	s11 =	sadd.s32 s9, s6;
	s10 =	sshrl.u32 s10, $0x3  }
0xc: {  	s7 =	sadd.s32 s8, s9;
	s10 =	sadd.s32 s10, s6;
	s6 =	sor.u32 $0x1C02, s31  }
0xd: {  	s8 =	sadd.s32 $0x2C00, s11;
	s11 =	sshrl.u32 s12, $0x3;
	s12 =	simm.s32 $0x2  }
0xe: {  	s9 =	sadd.s32 $0x37400, s10;
	s10 =	smax.u32 s13, $0x1;
	s13 =	simm.s32 $0x2800  }
.LBB2_1:
0xf: {  	[spmem:s11], [sflag:s6] =	dma.local [hbm:s5], $0x2800  }
0x10: {  	_ =	swait.ge [sflag:s12], $0x2800  }
0x11: {  	[sflag:s12] =	ssyncset.done $0x0  }
0x12: {  	[sflag:s12] =	ssyncadd.s32 $0xFFFFD800  }
0x13: {  	[tilespmem:s3], [sflag:$0x2] =	stream.linear.gather [hbm4b:s7+s3], $0x2800, $0x38;
	[tilespmem:$0x1D000] =	vst v63  }
0x14: {  	_ =	swait.ge [sflag:s12], $0x2800  }
0x15: {  	[sflag:s12] =	ssyncset.done $0x0  }
0x16: {  	[sflag:s12] =	ssyncadd.s32 $0xFFFFD800  }
0x17: {  	[tilespmem:s13], [sflag:$0x2] =	stream.linear.gather [hbm4b:s8+s3], $0x2800, $0x38;
	[tilespmem:$0x1D000] =	vst v63  }
0x18: {  	_ =	swait.ge [sflag:s12], $0x2800  }
0x19: {  	[sflag:s12] =	ssyncset.done $0x0  }
0x1a: {  	[sflag:s12] =	ssyncadd.s32 $0xFFFFD800  }
0x1b: {  	s18 =	simm.s32 $0x0;
	[bflag:$0x0] =	sbarrier.arrive $0xFFFF  }
0x1c: {  	[tilespmem:s15], [sflag:$0x1] =	stream.indirect.gather [hbm4b:s4+s14], $0x80, s18, s14, $0xb8;
	[tilespmem:$0x1D000] =	vst v63  }
0x1d: {  	_ =	swait.ge [sflag:s16], $0x4000  }
0x1e: {  	[sflag:s16] =	ssyncset.done $0x0  }
0x1f: {  	s31 =	simm.s32 $0x2800;
	[sflag:s16] =	ssyncadd.s32 $0xFFFFC000  }
0x20: {  	[spmem:s2] =	stream.indirect.scatter.add.f32 [tilespmem:s15], [sflag:$0x2], $0x80, s31, s14, $0xb8;
	[tilespmem:$0x1D000] =	vst v63  }
0x21: {  	_ =	swait.ge [sflag:s12], $0x4000  }
0x22: {  	s19 =	simm.s32 $0x400;
	s18 =	simm.s32 $0x200;
	[sflag:s12] =	ssyncset.done $0x0  }
.LBB2_2:
0x23: {  	s20 =	sshra.s32 s18, $0x2  }
0x24: {  	[sflag:s12] =	ssyncadd.s32 $0xFFFFC000;
	s18 =	smov.u32 s19;
	s21 =	sadd.s32 $0x200, s19  }
0x25: {  	[tilespmem:s15], [sflag:$0x1] =	stream.indirect.gather [hbm4b:s4+s14], $0x80, s20, s14, $0xb8;
	[tilespmem:$0x1D000] =	vst v63  }
0x26: {  	p0 =	sne.s32 s19, $0x9E00;
	_ =	swait.ge [sflag:s16], $0x4000  }
.Ltmp0:
0x27: {  	[sflag:s16] =	ssyncset.done $0x0;
	(pc) =	sbr.rel @p0 .LBB2_2-.Ltmp0, $4  }
0x28: {  	s19 =	sadd.s32 $0x2800, s20;
	[sflag:s16] =	ssyncadd.s32 $0xFFFFC000  }
0x29: {  	[spmem:s2] =	stream.indirect.scatter.add.f32 [tilespmem:s15], [sflag:$0x2], $0x80, s19, s14, $0xb8;
	[tilespmem:$0x1D000] =	vst v63  }
0x2a: {  	_ =	swait.ge [sflag:s12], $0x4000  }
0x2b: {  	s19 =	smov.u32 s21;
	[sflag:s12] =	ssyncset.done $0x0  }
0x2c: {  	s18 =	sshra.s32 s18, $0x2;
	[sflag:s12] =	ssyncadd.s32 $0xFFFFC000  }
0x2d: {  	[tilespmem:s15], [sflag:$0x1] =	stream.indirect.gather [hbm4b:s4+s14], $0x80, s18, s14, $0xb8;
	[tilespmem:$0x1D000] =	vst v63  }
0x2e: {  	_ =	swait.ge [sflag:s16], $0x4000  }
0x2f: {  	[sflag:s16] =	ssyncset.done $0x0  }
0x30: {  	s18 =	sadd.s32 $0x2800, s18;
	[sflag:s16] =	ssyncadd.s32 $0xFFFFC000  }
0x31: {  	[spmem:s2] =	stream.indirect.scatter.add.f32 [tilespmem:s15], [sflag:$0x2], $0x80, s18, s14, $0xb8;
	[tilespmem:$0x1D000] =	vst v63  }
0x32: {  	_ =	swait.ge [sflag:s12], $0x4000  }
0x33: {  	s17 =	sadd.s32 $0x1, s17;
	[sflag:s12] =	ssyncset.done $0x0  }
0x34: {  	p0 =	sne.s32 s17, s10;
	[sflag:s12] =	ssyncadd.s32 $0xFFFFC000  }
.Ltmp1:
0x35: {  	[bflag:$0x0] =	sbarrier.arrive $0xFFFF;
	(pc) =	sbr.rel @p0 .LBB2_1-.Ltmp1, $4  }
0x36: {  	[hbm:s9], [sflag:s6] =	dma.local [spmem:s11], $0x2800  }
0x37: {  	_ =	swait.ge [sflag:s12], $0x2800  }
0x38: {  	[sflag:s12] =	ssyncset.done $0x0  }
0x39: {  	[sflag:s12] =	ssyncadd.s32 $0xFFFFD800  }
0x3a: {  	_ =	sfence.sel $0x180000  }
0x3b: {  	[bflag:$0x0] =	sbarrier.arrive $0xFFFF  }
0x3c: {  	p0 =	sne.s32 s0, $0x0;
	_ =	strace $0x9000004D  }
0x3d: {  	s0 =	sadd.s32 @!p0 $0x100000, s1;
	[bflag:$0x2] =	sbarrier.arrive $0xFFFF  }
0x3e: {  	[sflag:s0] =	ssyncadd.tile.s32 @!p0 $0x1;
	_ =	shalt  }
.Lfunc_end2:
_tile_overlayer_lowered:
.L_overlay_start_2:
0x3f: {  	(tag) =	ssettag $0x2  }
0x40: {  	s0 =	rddreg [dreg:$0x0];
	s2 =	stileid.u32  }
0x41: {  	s1 =	rddreg [dreg:$0x1];
	p0 =	sne.s32 s2, $0x0  }
0x42: {  	s3 =	rddreg [dreg:$0x2];
	[bflag:$0x3] =	sbarrier.arrive $0xFFFF;
	s2 =	simm.s32 @!p0 $0x1C02  }
0x43: {  	[timem:s3], [sflag:s2] =	dma.local @!p0 [hbm:s0], s1  }
0x44: {  	s0 =	simm.s32 @!p0 $0x2  }
0x45: {  	_ =	swait.ge @!p0 [sflag:s0], s1  }
0x46: {  	s1 =	ssub.s32 @!p0 $0x0, s1;
	[sflag:s0] =	ssyncset.done @!p0 $0x0  }
0x47: {  	[sflag:s0] =	ssyncadd.s32 @!p0 s1  }
0x48: {  	[bflag:$0x3] =	sbarrier.arrive $0xFFFF  }
0x49: {  	_ =	shalt  }

// kernel: kernel.8.cloned.1.call-start
scs
__scs_entry_jumppad:
0x0: {  	(pc) =	sbr.rel $0x88, $3  }
0x1: {  	(tag) =	ssettag $0x0;
	lr =	simm.s32 $0x1  }
0x2: {  	[smem:$0x3F9B] =	sst lr;
	_ =	strace $0xD0000000  }
0x3: {  	_ = 	snop  }
0x4: {  	_ = 	snop  }
0x5: {  	_ = 	snop  }
0x6: {  	_ = 	snop  }
0x7: {  	_ = 	snop  }
__scs_overlays_trampoline_lowered:
0x8: {  	[smem:$0x3FAA] =	sst s0  }
0x9: {  	[smem:$0x3FAB] =	sst s1  }
0xa: {  	[smem:$0x3FAC] =	sst s2  }
0xb: {  	[smem:$0x3FAD] =	sst s3  }
0xc: {  	[smem:$0x3FAE] =	sst s4  }
0xd: {  	[smem:$0x3FAF] =	sst s5  }
0xe: {  	[smem:$0x3FB0] =	sst s6  }
0xf: {  	[smem:$0x3FB1] =	sst s7  }
0x10: {  	[smem:$0x3FB2] =	sst s8  }
0x11: {  	[smem:$0x3FB3] =	sst s9;
	s0 =	simm.s32 @!p0 $0x0  }
0x12: {  	s1 =	sld [smem:$0x3F99];
	s0 =	simm.s32 @p0 $0x1  }
0x13: {  	[smem:$0x3FB4] =	sst s0;
	s0 =	simm.s32 @!p1 $0x0  }
0x14: {  	s2 =	sld [smem:$0x3F98];
	s0 =	simm.s32 @p1 $0x1  }
0x15: {  	[smem:$0x3FB5] =	sst s0;
	s0 =	simm.s32 @!p2 $0x0  }
0x16: {  	s3 =	sld [smem:$0x3FDB];
	s0 =	simm.s32 @p2 $0x1  }
0x17: {  	s4 =	simm.s32 $0x1BF5;
	[smem:$0x3FB7] =	sst s0  }
0x18: {  	s0 =	sld [smem:$0x3F9A];
	_ =	swait.ge [sflag:s4], $0x0  }
0x19: {  	s7 =	sld [smem:$0x3F9B]  }
0x1a: {  	s8 =	sadd.s32 $0xFFFFE003, lr  }
0x1b: {  	s9 =	sadd.s32 $0xFFFFFEF7, lr;
	s5 =	simm.s32 $0xFFFFFFFF;
	p2 =	slt.u32 s8, $0xFFFFF086  }
0x1c: {  	p1 =	slt.u32 s9, $0xF7A;
	s5 =	simm.s32 @!p2 $0x0  }
0x1d: {  	s5 =	simm.s32 @p1 $0x1;
	p0 =	seq.s32 s7, s2  }
0x1e: {  	s7 =	smul.u32 @!p0 $0xF7A, s2;
	p2 =	seq.s32 @!p0 s5, $0x0  }
0x1f: {  	s9 =	smul.u32 $0xF7A, s1;
	s8 =	simm.s32 @!p0 $0x1BF5;
	p2 =	por !p2, p0  }
0x20: {  	[sflag:s8] =	ssyncset.s32 @!p0 $0xFFFFF086;
	s6 =	sadd.s32 @!p0 s3, s7;
	s7 =	simm.s32 @!p0 $0x108  }
0x21: {  	s3 =	sadd.s32 s3, s9;
	s6 =	sadd.s32 @!p0 $0x88, s6;
	s7 =	simm.s32 @p2 $0x1082  }
0x22: {  	[simem:s7], [sflag:s8] =	dma.local @!p0 [hbm:s6], $0xF7A  }
0x23: {  	s9 =	sor.u32 $0xD0000000, s2;
	s6 =	simm.s32 $0x108;
	_ =	swait.ge @!p0 [sflag:s8], $0x0  }
0x24: {  	s3 =	sadd.s32 $0x88, s3;
	s6 =	simm.s32 @!p1 $0x1082;
	[sflag:s4] =	ssyncset.s32 $0xFFFFF086  }
0x25: {  	[simem:s6], [sflag:s4] =	dma.local [hbm:s3], $0xF7A  }
0x26: {  	[smem:$0x3F9B] =	sst s1;
	(tag) =	ssettag s2;
	_ =	strace s9  }
0x27: {  	s1 =	sld [smem:$0x3FAB]  }
0x28: {  	s2 =	sld [smem:$0x3FAC]  }
0x29: {  	s4 =	sld [smem:$0x3FAE]  }
0x2a: {  	p0 =	seq.s32 s5, $0x0;
	s5 =	sld [smem:$0x3FAF]  }
0x2b: {  	s6 =	sld [smem:$0x3FB0]  }
0x2c: {  	s7 =	sld [smem:$0x3FB1]  }
0x2d: {  	s3 =	simm.s32 $0x108;
	s8 =	sld [smem:$0x3FB2]  }
0x2e: {  	s3 =	simm.s32 @!p0 $0x1082;
	s9 =	sld [smem:$0x3FB3]  }
0x2f: {  	lr =	sadd.s32 s0, s3;
	s0 =	sld [smem:$0x3FAA]  }
0x30: {  	s3 =	sld [smem:$0x3FAD]  }
0x31: {  	[smem:$0x3FB6] =	sst s10  }
0x32: {  	s10 =	sld [smem:$0x3FB4];
	_ =	sdelay $0x3  }
0x33: {  	p0 =	seq.s32 s10, $0x1;
	s10 =	sld [smem:$0x3FB6];
	_ =	sdelay $0x3  }
0x34: {  	[smem:$0x3FB6] =	sst s10  }
0x35: {  	s10 =	sld [smem:$0x3FB5];
	_ =	sdelay $0x3  }
0x36: {  	p1 =	seq.s32 s10, $0x1;
	s10 =	sld [smem:$0x3FB6];
	_ =	sdelay $0x3  }
0x37: {  	[smem:$0x3FB6] =	sst s10  }
0x38: {  	s10 =	sld [smem:$0x3FB7]  }
0x39: {  	_ = 	snop;
	(pc) =	sbr.ind lr, $3  }
0x3a: {  	_ = 	snop  }
0x3b: {  	_ = 	snop  }
0x3c: {  	p2 =	seq.s32 s10, $0x1;
	s10 =	sld [smem:$0x3FB6]  }
0x3d: {  	_ =	shalt  }
0x3e: {  	_ =	shalt  }
0x3f: {  	_ =	shalt  }
0x40: {  	_ =	shalt  }
0x41: {  	_ =	shalt  }
0x42: {  	_ =	shalt  }
0x43: {  	_ =	shalt  }
0x44: {  	_ =	shalt  }
0x45: {  	_ =	shalt  }
0x46: {  	_ =	shalt  }
0x47: {  	_ =	shalt  }
0x48: {  	_ =	shalt  }
0x49: {  	_ =	shalt  }
0x4a: {  	_ =	shalt  }
0x4b: {  	_ =	shalt  }
0x4c: {  	_ =	shalt  }
0x4d: {  	_ =	shalt  }
0x4e: {  	_ =	shalt  }
0x4f: {  	_ =	shalt  }
0x50: {  	_ =	shalt  }
0x51: {  	_ =	shalt  }
0x52: {  	_ =	shalt  }
0x53: {  	_ =	shalt  }
0x54: {  	_ =	shalt  }
0x55: {  	_ =	shalt  }
0x56: {  	_ =	shalt  }
0x57: {  	_ =	shalt  }
0x58: {  	_ =	shalt  }
0x59: {  	_ =	shalt  }
0x5a: {  	_ =	shalt  }
0x5b: {  	_ =	shalt  }
0x5c: {  	_ =	shalt  }
0x5d: {  	_ =	shalt  }
0x5e: {  	_ =	shalt  }
0x5f: {  	_ =	shalt  }
0x60: {  	_ =	shalt  }
0x61: {  	_ =	shalt  }
0x62: {  	_ =	shalt  }
0x63: {  	_ =	shalt  }
0x64: {  	_ =	shalt  }
0x65: {  	_ =	shalt  }
0x66: {  	_ =	shalt  }
0x67: {  	_ =	shalt  }
0x68: {  	_ =	shalt  }
0x69: {  	_ =	shalt  }
0x6a: {  	_ =	shalt  }
0x6b: {  	_ =	shalt  }
0x6c: {  	_ =	shalt  }
0x6d: {  	_ =	shalt  }
0x6e: {  	_ =	shalt  }
0x6f: {  	_ =	shalt  }
0x70: {  	_ =	shalt  }
0x71: {  	_ =	shalt  }
0x72: {  	_ =	shalt  }
0x73: {  	_ =	shalt  }
0x74: {  	_ =	shalt  }
0x75: {  	_ =	shalt  }
0x76: {  	_ =	shalt  }
0x77: {  	_ =	shalt  }
0x78: {  	_ =	shalt  }
0x79: {  	_ =	shalt  }
0x7a: {  	_ =	shalt  }
0x7b: {  	_ =	shalt  }
0x7c: {  	_ =	shalt  }
0x7d: {  	_ =	shalt  }
0x7e: {  	_ =	shalt  }
0x7f: {  	_ =	shalt  }
0x80: {  	_ =	shalt  }
0x81: {  	_ =	shalt  }
0x82: {  	_ =	shalt  }
0x83: {  	_ =	shalt  }
0x84: {  	_ =	shalt  }
0x85: {  	_ =	shalt  }
0x86: {  	_ =	shalt  }
0x87: {  	_ =	shalt  }
.Lfunc_end0:
.L_simem_size_0:
called_computation_lowered:
.L_overlay_start_0:
0x88: {  	s2 =	sld [smem:$0x3FD9]  }
0x89: {  	s3 =	sld [smem:$0x3FFE];
	_ =	sdelay $0x1  }
0x8a: {  	s1 =	srdreg.scid  }
0x8b: {  	s0 =	sand.u32 $0x1, s1  }
0x8c: {  	s16 =	sshll.u32 s0, $0xA;
	s2 =	sadd.s32 s3, s2  }
0x8d: {  	s2 =	sadd.s32 s2, s16  }
0x8e: {  	[smem:$0x3FC2] =	sst s2  }
0x8f: {  	_ = 	snop  }
0x90: {  	(tm) =	ssettm $0x1  }
0x91: {  	s17 =	sld [smem:$0x3FFB];
	_ =	sdelay $0x3  }
0x92: {  	_ =	strace s17  }
0x93: {  	s2 =	sld [smem:$0x3FFC];
	_ =	sdelay $0x3  }
0x94: {  	_ =	strace s2  }
0x95: {  	s2 =	sld [smem:$0x3FFD];
	_ =	sdelay $0x3  }
0x96: {  	_ =	strace s2  }
0x97: {  	_ =	strace $0x8FFFFFFF  }
0x98: {  	s18 =	sld [smem:$0x3FDB];
	_ =	sdelay $0x1  }
0x99: {  	s19 =	simm.s32 $_scs_section_size  }
0x9a: {  	s4 =	simm.s32 $_size__tile_overlayer_lowered;
	s5 =	simm.s32 $_tile_overlayer_lowered  }
0x9b: {  	s22 =	simm.s32 $0x1BFF;
	s21 =	sshll.u32 s5, $0x1;
	s2 =	sadd.s32 s19, s18  }
0x9c: {  	s6 =	simm.s32 $0x0;
	s20 =	sshll.u32 s4, $0x1;
	s4 =	sadd.s32 s21, s2  }
0x9d: {  	[timem:s6], [sflag:s22] =	dma.local [hbm:s4], s20  }
0x9e: {  	_ =	swait.ge [sflag:s22], s20  }
0x9f: {  	s3 =	ssub.s32 $0x0, s20;
	[sflag:s22] =	ssyncset.done $0x0  }
0xa0: {  	[sflag:s22] =	ssyncadd.s32 s3;
	_ =	sdelay $0x1  }
0xa1: {  	s23 =	simm.s32 $0x1B8B  }
0xa2: {  	_ =	swait.ge [sflag:s23], $0x1  }
0xa3: {  	[sflag:s23] =	ssyncset.done $0x0  }
0xa4: {  	s25 =	simm.s32 $0x1B8E;
	s24 =	sld [smem:$0x3FFE];
	[sflag:s23] =	ssyncadd.s32 $0xFFFFFFFF  }
0xa5: {  	s26 =	simm.s32 $execute0_lowered;
	[smem:$0x3FD2] =	sst s25  }
0xa6: {  	s4 =	sshll.u32 s26, $0x1;
	_ =	strace $0x80000046;
	[dreg:$0x1] =	wrdreg $0xFFFFFFFF  }
0xa7: {  	s28 =	simm.s32 $_size_execute0_lowered;
	s2 =	sadd.s32 s2, s4;
	[dreg:$0x0] =	wrdreg $0x0  }
0xa8: {  	s4 =	sshll.u32 s28, $0x1;
	[dreg:$0x2] =	wrdreg s2  }
0xa9: {  	[dreg:$0x3] =	wrdreg s4  }
0xaa: {  	[dreg:$0x4] =	wrdreg $0xC0  }
0xab: {  	_ =	task [dreg:s6], $0x5FFFF  }
0xac: {  	[dreg:$0x1] =	wrdreg $0xFFFFFFFF  }
0xad: {  	[dreg:$0x0] =	wrdreg $0x60  }
0xae: {  	[dreg:$0x2] =	wrdreg s24  }
0xaf: {  	[dreg:$0x3] =	wrdreg $0x28800  }
0xb0: {  	[dreg:$0x4] =	wrdreg $0x9  }
0xb1: {  	_ =	task.clear_ibuf [dreg:s6], $0x5FFFF;
	_ =	strace $0x90000046  }
0xb2: {  	s29 =	simm.s32 $0x9;
	_ =	strace $0x80000048  }
0xb3: {  	_ =	swait.ge [sflag:s29], $0x1  }
0xb4: {  	[sflag:s29] =	ssyncadd.s32 $0xFFFFFFFF  }
0xb5: {  	_ =	strace $0x90000048  }
0xb6: {  	_ =	sfence  }
0xb7: {  	s30 =	sld [smem:$0x0];
	_ =	sdelay $0x2  }
0xb8: {  	s31 =	sshll.u32 s1, $0xD;
	s1 =	sshrl.u32 s1, $0x2  }
0xb9: {  	s3 =	sand.u32 $0x4000, s31;
	s1 =	sadd.s32 s1, s30  }
0xba: {  	s0 =	sor.u32 s3, s0;
	s1 =	sshll.u32 s1, $0x11  }
0xbb: {  	s0 =	sor.u32 s1, s0  }
0xbc: {  	s0 =	sadd.s32 $0x8F2B, s0  }
0xbd: {  	[sflag:s0] =	ssyncadd.remote.s32 $0x1  }
0xbe: {  	_ =	sfence.sel $0xFFFF  }
0xbf: {  	[dreg:$0x0] =	wrdreg $0xFFFFFFFF;
	(pc) =	sbr.abs _section_cstart, $3  }
0xc0: {  	[dreg:$0x1] =	wrdreg $0xFFFFFFFF  }
0xc1: {  	_ =	task.clear_ibuf [dreg:s6], $0x2FFFF;
	_ =	strace $0x9FFFFFFF  }
0xc2: {  	(tm) =	ssettm $0x7FFFFFFF  }
0xc3: {  	_ =	shalt  }
tec
execute0_lowered:
.L_overlay_start_1:
0x0: {  	(tag) =	ssettag $0x1  }
0x1: {  	s1 =	srdreg.scid;
	s6 =	rddreg [dreg:$0x0]  }
0x2: {  	s0 =	stileid.u32;
	s2 =	rddreg [dreg:$0x1];
	s3 =	simm.s32 $0x0  }
0x3: {  	s13 =	simm.s32 $0x80;
	s14 =	simm.s32 $0x20;
	s15 =	simm.s32 $0x10  }
0x4: {  	s16 =	simm.s32 $0x0;
	s5 =	sand.u32 $0x1, s1;
	s1 =	rddreg [dreg:$0x2]  }
0x5: {  	s26 =	sshll.u32 s0, $0x1;
	[smem:$0x7FF] =	sst s3;
	s7 =	smul.u32 $0x500, s0  }
0x6: {  	s10 =	smul.u32 $0xA00, s0;
	s31 =	sshll.u32 s0, $0x6;
	s4 =	sor.u32 s5, s26  }
0x7: {  	_ =	strace $0x80000047;
	s8 =	sshll.u32 s5, $0x7;
	s28 =	ssub.s32 $0x2, s5  }
0x8: {  	s5 =	sadd.s32 $0xCC00, s6;
	s4 =	smul.u32 $0x500, s4;
	s7 =	sor.u32 s8, s7  }
0x9: {  	s29 =	sshrl.u32 s28, $0x1;
	s30 =	sshrl.u32 s10, $0x2;
	s7 =	sshrl.u32 s7, $0x3  }
0xa: {  	s12 =	ssub.s32 s28, s29;
	s10 =	sadd.s32 s30, s2;
	s9 =	sadd.s32 s4, s6  }
0xb: {  	s4 =	sadd.s32 $0xCE00, s6;
	s11 =	sadd.s32 s7, s6;
	s6 =	sor.u32 $0x1C01, s31  }
0xc: {  	s10 =	sshrl.u32 s10, $0x3;
	s7 =	sadd.s32 $0x2C00, s9;
	s8 =	sadd.s32 $0xD000, s11  }
0xd: {  	s9 =	smax.u32 s12, $0x1;
	s11 =	simm.s32 $0x1;
	s12 =	simm.s32 $0x2800  }
.LBB2_1:
0xe: {  	[spmem:s10], [sflag:s6] =	dma.local [hbm:s5], $0x50  }
0xf: {  	_ =	swait.ge [sflag:s11], $0x50  }
0x10: {  	[sflag:s11] =	ssyncset.done $0x0  }
0x11: {  	[sflag:s11] =	ssyncadd.s32 $0xFFFFFFB0  }
0x12: {  	[tilespmem:s12], [sflag:$0x1] =	stream.linear.gather [hbm4b:s4+s3], $0x80, $0x38;
	[tilespmem:$0x2B00] =	vst v63  }
0x13: {  	_ =	swait.ge [sflag:s11], $0x80  }
0x14: {  	[sflag:s11] =	ssyncset.done $0x0  }
0x15: {  	[sflag:s11] =	ssyncadd.s32 $0xFFFFFF80  }
0x16: {  	[tilespmem:s3], [sflag:$0x1] =	stream.linear.gather [hbm4b:s7+s3], $0x2800, $0x38;
	[tilespmem:$0x2B00] =	vst v63  }
0x17: {  	_ =	swait.ge [sflag:s11], $0x2800  }
0x18: {  	[sflag:s11] =	ssyncset.done $0x0  }
0x19: {  	[sflag:s11] =	ssyncadd.s32 $0xFFFFD800  }
0x1a: {  	s17 =	simm.s32 $0x0;
	[bflag:$0x0] =	sbarrier.arrive $0xFFFF  }
0x1b: {  	[spmem:s2] =	stream.indirect.scatter.add.f32 [tilespmem:s12], [sflag:$0x1], $0x1, s17, s13, $0xb8;
	[tilespmem:$0x2B00] =	vst v63  }
0x1c: {  	_ =	swait.ge [sflag:s11], $0x80  }
0x1d: {  	s17 =	simm.s32 $0x200;
	[sflag:s11] =	ssyncset.done $0x0  }
.LBB2_2:
0x1e: {  	s18 =	sshra.s32 s17, $0x2;
	[sflag:s11] =	ssyncadd.s32 $0xFFFFFF80;
	p0 =	sne.s32 s17, $0x9E00  }
0x1f: {  	[spmem:s2] =	stream.indirect.scatter.add.f32 [tilespmem:s12], [sflag:$0x1], $0x1, s18, s13, $0xb8;
	[tilespmem:$0x2B00] =	vst v63  }
.Ltmp0:
0x20: {  	_ = 	snop;
	(pc) =	sbr.rel @p0 .LBB2_2-.Ltmp0, $4  }
0x21: {  	_ = 	snop  }
0x22: {  	s17 =	sadd.s32 $0x200, s17  }
0x23: {  	_ =	swait.ge [sflag:s11], $0x80  }
0x24: {  	[sflag:s11] =	ssyncset.done $0x0  }
0x25: {  	s16 =	sadd.s32 $0x1, s16  }
0x26: {  	[sflag:s11] =	ssyncadd.s32 $0xFFFFFF80;
	p0 =	sne.s32 s16, s9  }
.Ltmp1:
0x27: {  	[bflag:$0x0] =	sbarrier.arrive $0xFFFF;
	(pc) =	sbr.rel @p0 .LBB2_1-.Ltmp1, $4  }
0x28: {  	[hbm:s8@s14], [sflag:s6] =	dma.strided [spmem:s10@s15], $0x50, s11, $0x10   }
0x29: {  	_ =	swait.ge [sflag:s11], $0x50  }
0x2a: {  	[sflag:s11] =	ssyncset.done $0x0  }
0x2b: {  	[sflag:s11] =	ssyncadd.s32 $0xFFFFFFB0  }
0x2c: {  	_ =	sfence.sel $0x180000  }
0x2d: {  	[bflag:$0x0] =	sbarrier.arrive $0xFFFF  }
0x2e: {  	p0 =	sne.s32 s0, $0x0;
	_ =	strace $0x90000047  }
0x2f: {  	s0 =	sadd.s32 @!p0 $0x100000, s1;
	[bflag:$0x2] =	sbarrier.arrive $0xFFFF  }
0x30: {  	[sflag:s0] =	ssyncadd.tile.s32 @!p0 $0x1;
	_ =	shalt  }
.Lfunc_end2:
_tile_overlayer_lowered:
.L_overlay_start_2:
0x31: {  	(tag) =	ssettag $0x2  }
0x32: {  	s0 =	rddreg [dreg:$0x0];
	s2 =	stileid.u32  }
0x33: {  	s1 =	rddreg [dreg:$0x1];
	p0 =	sne.s32 s2, $0x0  }
0x34: {  	s3 =	rddreg [dreg:$0x2];
	[bflag:$0x3] =	sbarrier.arrive $0xFFFF;
	s2 =	simm.s32 @!p0 $0x1C01  }
0x35: {  	[timem:s3], [sflag:s2] =	dma.local @!p0 [hbm:s0], s1  }
0x36: {  	s0 =	simm.s32 @!p0 $0x1  }
0x37: {  	_ =	swait.ge @!p0 [sflag:s0], s1  }
0x38: {  	s1 =	ssub.s32 @!p0 $0x0, s1;
	[sflag:s0] =	ssyncset.done @!p0 $0x0  }
0x39: {  	[sflag:s0] =	ssyncadd.s32 @!p0 s1  }
0x3a: {  	[bflag:$0x3] =	sbarrier.arrive $0xFFFF  }
0x3b: {  	_ =	shalt  }

</sc_bundles>
